<compile_context>
chip_gen: v7x
topology: tpu7x:2x2x1
jax: 0.10.2.dev20260603
libtpu: 0.0.44.dev20260713+nightly
codegen_flags: <defaults>
</compile_context>

<pallas_src>
import functools

import jax
import jax.numpy as jnp
from jax import lax
from jax.experimental import pallas as pl
from jax.experimental.pallas import tpu as pltpu
from jax.experimental.pallas import tpu_sc as plsc

NUM_EMBEDDINGS = 1000000
EMBED_DIM = 32
NUM_FEATURES = 2
BATCH = 4096
MAX_LEN = 20

LANES = 16
NUM_WORKERS = 32
BAGS_PER_WORKER = BATCH // NUM_WORKERS
IDX_PER_WORKER = BAGS_PER_WORKER * MAX_LEN
GATHER_BATCH = 128
GATHERS_PER_FEATURE = IDX_PER_WORKER // GATHER_BATCH


def _sc_body(idx_hbm, t0_hbm, t1_hbm, wv_hbm, out_hbm,
             idx_v, rows_v, acc_v, wv_v, sem):
    cid = lax.axis_index("c")
    sid = lax.axis_index("s")
    wid = sid * 2 + cid
    base_bag = wid * BAGS_PER_WORKER

    pltpu.sync_copy(wv_hbm, wv_v)

    for f in range(NUM_FEATURES):
        table = t0_hbm if f == 0 else t1_hbm

        pltpu.sync_copy(
            idx_hbm.at[pl.ds(f * BATCH * MAX_LEN + wid * IDX_PER_WORKER,
                             IDX_PER_WORKER)],
            idx_v)

        copies = []
        for j in range(GATHERS_PER_FEATURE):
            copies.append(
                pltpu.async_copy(
                    table.at[idx_v.at[pl.ds(j * GATHER_BATCH, GATHER_BATCH)]],
                    rows_v.at[pl.ds(j * GATHER_BATCH, GATHER_BATCH)],
                    sem))
        for c in copies:
            c.wait()

        w = tuple(wv_v[pl.ds((f * MAX_LEN + l) * LANES, LANES)]
                  for l in range(MAX_LEN))

        def bag_body(b, w):
            r0 = b * MAX_LEN
            a0e = w[0] * rows_v[r0, pl.ds(0, LANES)]
            a1e = w[0] * rows_v[r0, pl.ds(LANES, LANES)]
            a0o = w[1] * rows_v[r0 + 1, pl.ds(0, LANES)]
            a1o = w[1] * rows_v[r0 + 1, pl.ds(LANES, LANES)]
            for l in range(2, MAX_LEN, 2):
                a0e = a0e + w[l] * rows_v[r0 + l, pl.ds(0, LANES)]
                a1e = a1e + w[l] * rows_v[r0 + l, pl.ds(LANES, LANES)]
                a0o = a0o + w[l + 1] * rows_v[r0 + l + 1, pl.ds(0, LANES)]
                a1o = a1o + w[l + 1] * rows_v[r0 + l + 1, pl.ds(LANES, LANES)]
            o = pl.multiple_of(b * EMBED_DIM, EMBED_DIM)
            acc_v[pl.ds(o, LANES)] = a0e + a0o
            acc_v[pl.ds(o + LANES, LANES)] = a1e + a1o
            return w

        lax.fori_loop(0, BAGS_PER_WORKER, bag_body, w, unroll=False)

        pltpu.sync_copy(
            acc_v,
            out_hbm.at[pl.ds(f * BATCH * EMBED_DIM + base_bag * EMBED_DIM,
                             BAGS_PER_WORKER * EMBED_DIM)])


@jax.jit
def _fpebc(idx_flat, table0, table1, wv):
    mesh = plsc.VectorSubcoreMesh(core_axis_name="c", subcore_axis_name="s")
    kern = functools.partial(
        pl.kernel,
        out_type=jax.ShapeDtypeStruct((NUM_FEATURES * BATCH * EMBED_DIM,),
                                      jnp.float32),
        mesh=mesh,
        compiler_params=pltpu.CompilerParams(use_tc_tiling_on_sc=False),
        scratch_types=[
            pltpu.VMEM((IDX_PER_WORKER,), jnp.int32),
            pltpu.VMEM((IDX_PER_WORKER, EMBED_DIM), jnp.float32),
            pltpu.VMEM((BAGS_PER_WORKER * EMBED_DIM,), jnp.float32),
            pltpu.VMEM((NUM_FEATURES * MAX_LEN * LANES,), jnp.float32),
            pltpu.SemaphoreType.DMA,
        ],
    )(_sc_body)
    out_flat = kern(idx_flat, table0, table1, wv)
    return (out_flat.reshape(NUM_FEATURES, BATCH, EMBED_DIM)
            .transpose(1, 0, 2)
            .reshape(BATCH, NUM_FEATURES * EMBED_DIM))


def kernel(indices, table0, table1, pos_w):
    idx_flat = indices.reshape(-1)
    wv = jnp.broadcast_to(pos_w[:, :, None],
                          (NUM_FEATURES, MAX_LEN, LANES)).reshape(-1)
    return _fpebc(idx_flat, table0, table1, wv)

# --- scband reference (transcript-rebuilt; emitter-appended) ---
"""Pipeline reference for scband-feature-processed-embedding-bag-collection-36507222016735 (READ-ONLY COPY).

The authoritative reference and input builder live on the scoring server;
editing this copy changes nothing except your own understanding.
"""

import jax, jax.numpy as jnp
import numpy as np

NUM_EMBEDDINGS = 1000000
EMBED_DIM = 32
NUM_FEATURES = 2
BATCH = 4096
MAX_LEN = 20


def setup_inputs(seed: int = 0) -> dict:
    key = jax.random.key(seed)
    k1, k2, k3, k4 = jax.random.split(key, 4)
    # KJT with fixed bag length L per feature: indices[F, B, L]
    indices = jax.random.randint(k1, (NUM_FEATURES, BATCH, MAX_LEN), 0, NUM_EMBEDDINGS, dtype=jnp.int64 if jax.config.jax_enable_x64 else jnp.int32).astype(jnp.int32)
    # One embedding table per feature (EmbeddingBagCollection configs)
    table0 = jax.random.normal(k2, (NUM_EMBEDDINGS, EMBED_DIM), dtype=jnp.float32) * 0.01
    table1 = jax.random.normal(k3, (NUM_EMBEDDINGS, EMBED_DIM), dtype=jnp.float32) * 0.01
    # PositionWeightedModule-style feature processors: learned per-position weights per feature
    pos_w = jax.random.normal(k4, (NUM_FEATURES, MAX_LEN), dtype=jnp.float32) + 1.0
    return {"indices": indices, "table0": table0, "table1": table1, "pos_w": pos_w}


def reference(indices, table0, table1, pos_w):
    # Feature processors produce per-value weights (position weighted),
    # then the weighted EmbeddingBagCollection does a weighted sum-pool per bag,
    # and results per feature are concatenated into a KeyedTensor layout [B, F*D].
    tables = [table0, table1]
    outs = []
    for f in range(NUM_FEATURES):
        emb = jnp.take(tables[f], indices[f], axis=0)  # [B, L, D] gather
        w = pos_w[f]                                    # [L] fp weights applied to each value
        pooled = jnp.sum(emb * w[None, :, None], axis=1)  # weighted sum pooling -> [B, D]
        outs.append(pooled)
    return jnp.concatenate(outs, axis=-1)  # KeyedTensor -> [B, F*D]

if __name__ == "__main__":
    import jax
    _d = setup_inputs()
    print(jax.jit(kernel)(*tuple(_d.values())))

</pallas_src>

<mosaic_0001>
#map = affine_map<(d0, d1) -> (0)>
#map1 = affine_map<(d0, d1) -> (0, 0)>
module attributes {stable_mosaic.version = 14 : i64} {
  func.func @_sc_body(%arg0: i32, %arg1: i32, %arg2: memref<163840xi32, #tpu.memory_space<hbm>>, %arg3: memref<1000000x32xf32, #tpu.memory_space<hbm>>, %arg4: memref<1000000x32xf32, #tpu.memory_space<hbm>>, %arg5: memref<640xf32, #tpu.memory_space<hbm>>, %arg6: memref<262144xf32, #tpu.memory_space<hbm>>, %arg7: memref<2560xi32, #tpu.memory_space<vmem>>, %arg8: memref<2560x32xf32, #tpu.memory_space<vmem>>, %arg9: memref<4096xf32, #tpu.memory_space<vmem>>, %arg10: memref<640xf32, #tpu.memory_space<vmem>>, %arg11: memref<!tpu.dma_semaphore, #tpu.memory_space<semaphore_mem>>) attributes {dimension_semantics = [#tpu.dimension_semantics<core_parallel>, #tpu.dimension_semantics<subcore_parallel>], iteration_bounds = array<i64: 2, 16>, scalar_prefetch = 0 : i64, scratch_operands = 5 : i64, tpu.core_type = #tpu.core_type<sc_vector_subcore>, window_params = [{transform_indices = #map}, {transform_indices = #map1}, {transform_indices = #map1}, {transform_indices = #map}, {transform_indices = #map}]} {
    %mul3A = arith.constant 2 : i32
    %mul3A_0 = arith.muli %arg1, %mul3A : i32
    %add3A = arith.addi %mul3A_0, %arg0 : i32
    %mul3A_1 = arith.constant 128 : i32
    %mul3A_2 = arith.muli %add3A, %mul3A_1 : i32
    "tpu.region"() ({
      %run_scoped3A = tpu.sem_alloc : memref<!tpu.dma_semaphore, #tpu.memory_space<semaphore_mem>>
      tpu.enqueue_dma source(%arg5 : memref<640xf32, #tpu.memory_space<hbm>>) target(%arg10 : memref<640xf32, #tpu.memory_space<vmem>>) target_semaphore(%run_scoped3A : memref<!tpu.dma_semaphore, #tpu.memory_space<semaphore_mem>>)
      tpu.wait_dma2 semaphore(%run_scoped3A : memref<!tpu.dma_semaphore, #tpu.memory_space<semaphore_mem>>) src(%arg5 : memref<640xf32, #tpu.memory_space<hbm>>) dst(%arg10 : memref<640xf32, #tpu.memory_space<vmem>>)
      tpu.yield
    }) : () -> ()
    %mul3A_3 = arith.constant 2560 : i32
    %mul3A_4 = arith.muli %add3A, %mul3A_3 : i32
    %add3A_5 = arith.constant 0 : i32
    %add3A_6 = arith.addi %add3A_5, %mul3A_4 : i32
    "tpu.region"() ({
      %run_scoped3A = tpu.sem_alloc : memref<!tpu.dma_semaphore, #tpu.memory_space<semaphore_mem>>
      %dma_start3A_785 = tpu.memref_slice %arg2[%add3A_6] : memref<163840xi32, #tpu.memory_space<hbm>> -> memref<2560xi32, #tpu.memory_space<hbm>>
      %dma_start3A_786 = tpu.memref_slice %arg2[%add3A_6] : memref<163840xi32, #tpu.memory_space<hbm>> -> memref<2560xi32, #tpu.memory_space<hbm>>
      tpu.enqueue_dma source(%dma_start3A_786 : memref<2560xi32, #tpu.memory_space<hbm>>) target(%arg7 : memref<2560xi32, #tpu.memory_space<vmem>>) target_semaphore(%run_scoped3A : memref<!tpu.dma_semaphore, #tpu.memory_space<semaphore_mem>>)
      %dma_wait3A_787 = tpu.memref_slice %arg2[%add3A_6] : memref<163840xi32, #tpu.memory_space<hbm>> -> memref<2560xi32, #tpu.memory_space<hbm>>
      %dma_wait3A_788 = tpu.memref_slice %arg2[%add3A_6] : memref<163840xi32, #tpu.memory_space<hbm>> -> memref<2560xi32, #tpu.memory_space<hbm>>
      tpu.wait_dma2 semaphore(%run_scoped3A : memref<!tpu.dma_semaphore, #tpu.memory_space<semaphore_mem>>) src(%dma_wait3A_788 : memref<2560xi32, #tpu.memory_space<hbm>>) dst(%arg7 : memref<2560xi32, #tpu.memory_space<vmem>>)
      tpu.yield
    }) : () -> ()
    %dma_start3A = arith.constant 0 : i32
    %dma_start3A_7 = arith.constant 0 : i32
    %dma_start3A_8 = tpu.memref_slice %arg8[%dma_start3A, %dma_start3A_7] : memref<2560x32xf32, #tpu.memory_space<vmem>> -> memref<128x32xf32, #tpu.memory_space<vmem>>
    %dma_start3A_9 = arith.constant 0 : i32
    %dma_start3A_10 = tpu.memref_slice %arg7[%dma_start3A_9] : memref<2560xi32, #tpu.memory_space<vmem>> -> memref<128xi32, #tpu.memory_space<vmem>>
    %dma_start3A_11 = arith.constant 0 : i32
    %dma_start3A_12 = arith.constant 0 : i32
    %dma_start3A_13 = tpu.memref_slice %arg3[%dma_start3A_11, %dma_start3A_12] : memref<1000000x32xf32, #tpu.memory_space<hbm>> -> memref<1000000x32xf32, #tpu.memory_space<hbm>>
    tpu.enqueue_indirect_dma source(%dma_start3A_13 : memref<1000000x32xf32, #tpu.memory_space<hbm>>) target(%dma_start3A_8 : memref<128x32xf32, #tpu.memory_space<vmem>>) offsets(%dma_start3A_10 : memref<128xi32, #tpu.memory_space<vmem>>) semaphore(%arg11 : memref<!tpu.dma_semaphore, #tpu.memory_space<semaphore_mem>>)
    %dma_start3A_14 = arith.constant 128 : i32
    %dma_start3A_15 = arith.constant 0 : i32
    %dma_start3A_16 = tpu.memref_slice %arg8[%dma_start3A_14, %dma_start3A_15] : memref<2560x32xf32, #tpu.memory_space<vmem>> -> memref<128x32xf32, #tpu.memory_space<vmem>>
    %dma_start3A_17 = arith.constant 128 : i32
    %dma_start3A_18 = tpu.memref_slice %arg7[%dma_start3A_17] : memref<2560xi32, #tpu.memory_space<vmem>> -> memref<128xi32, #tpu.memory_space<vmem>>
    %dma_start3A_19 = arith.constant 0 : i32
    %dma_start3A_20 = arith.constant 0 : i32
    %dma_start3A_21 = tpu.memref_slice %arg3[%dma_start3A_19, %dma_start3A_20] : memref<1000000x32xf32, #tpu.memory_space<hbm>> -> memref<1000000x32xf32, #tpu.memory_space<hbm>>
    tpu.enqueue_indirect_dma source(%dma_start3A_21 : memref<1000000x32xf32, #tpu.memory_space<hbm>>) target(%dma_start3A_16 : memref<128x32xf32, #tpu.memory_space<vmem>>) offsets(%dma_start3A_18 : memref<128xi32, #tpu.memory_space<vmem>>) semaphore(%arg11 : memref<!tpu.dma_semaphore, #tpu.memory_space<semaphore_mem>>)
    %dma_start3A_22 = arith.constant 256 : i32
    %dma_start3A_23 = arith.constant 0 : i32
    %dma_start3A_24 = tpu.memref_slice %arg8[%dma_start3A_22, %dma_start3A_23] : memref<2560x32xf32, #tpu.memory_space<vmem>> -> memref<128x32xf32, #tpu.memory_space<vmem>>
    %dma_start3A_25 = arith.constant 256 : i32
    %dma_start3A_26 = tpu.memref_slice %arg7[%dma_start3A_25] : memref<2560xi32, #tpu.memory_space<vmem>> -> memref<128xi32, #tpu.memory_space<vmem>>
    %dma_start3A_27 = arith.constant 0 : i32
    %dma_start3A_28 = arith.constant 0 : i32
    %dma_start3A_29 = tpu.memref_slice %arg3[%dma_start3A_27, %dma_start3A_28] : memref<1000000x32xf32, #tpu.memory_space<hbm>> -> memref<1000000x32xf32, #tpu.memory_space<hbm>>
    tpu.enqueue_indirect_dma source(%dma_start3A_29 : memref<1000000x32xf32, #tpu.memory_space<hbm>>) target(%dma_start3A_24 : memref<128x32xf32, #tpu.memory_space<vmem>>) offsets(%dma_start3A_26 : memref<128xi32, #tpu.memory_space<vmem>>) semaphore(%arg11 : memref<!tpu.dma_semaphore, #tpu.memory_space<semaphore_mem>>)
    %dma_start3A_30 = arith.constant 384 : i32
    %dma_start3A_31 = arith.constant 0 : i32
    %dma_start3A_32 = tpu.memref_slice %arg8[%dma_start3A_30, %dma_start3A_31] : memref<2560x32xf32, #tpu.memory_space<vmem>> -> memref<128x32xf32, #tpu.memory_space<vmem>>
    %dma_start3A_33 = arith.constant 384 : i32
    %dma_start3A_34 = tpu.memref_slice %arg7[%dma_start3A_33] : memref<2560xi32, #tpu.memory_space<vmem>> -> memref<128xi32, #tpu.memory_space<vmem>>
    %dma_start3A_35 = arith.constant 0 : i32
    %dma_start3A_36 = arith.constant 0 : i32
    %dma_start3A_37 = tpu.memref_slice %arg3[%dma_start3A_35, %dma_start3A_36] : memref<1000000x32xf32, #tpu.memory_space<hbm>> -> memref<1000000x32xf32, #tpu.memory_space<hbm>>
    tpu.enqueue_indirect_dma source(%dma_start3A_37 : memref<1000000x32xf32, #tpu.memory_space<hbm>>) target(%dma_start3A_32 : memref<128x32xf32, #tpu.memory_space<vmem>>) offsets(%dma_start3A_34 : memref<128xi32, #tpu.memory_space<vmem>>) semaphore(%arg11 : memref<!tpu.dma_semaphore, #tpu.memory_space<semaphore_mem>>)
    %dma_start3A_38 = arith.constant 512 : i32
    %dma_start3A_39 = arith.constant 0 : i32
    %dma_start3A_40 = tpu.memref_slice %arg8[%dma_start3A_38, %dma_start3A_39] : memref<2560x32xf32, #tpu.memory_space<vmem>> -> memref<128x32xf32, #tpu.memory_space<vmem>>
    %dma_start3A_41 = arith.constant 512 : i32
    %dma_start3A_42 = tpu.memref_slice %arg7[%dma_start3A_41] : memref<2560xi32, #tpu.memory_space<vmem>> -> memref<128xi32, #tpu.memory_space<vmem>>
    %dma_start3A_43 = arith.constant 0 : i32
    %dma_start3A_44 = arith.constant 0 : i32
    %dma_start3A_45 = tpu.memref_slice %arg3[%dma_start3A_43, %dma_start3A_44] : memref<1000000x32xf32, #tpu.memory_space<hbm>> -> memref<1000000x32xf32, #tpu.memory_space<hbm>>
    tpu.enqueue_indirect_dma source(%dma_start3A_45 : memref<1000000x32xf32, #tpu.memory_space<hbm>>) target(%dma_start3A_40 : memref<128x32xf32, #tpu.memory_space<vmem>>) offsets(%dma_start3A_42 : memref<128xi32, #tpu.memory_space<vmem>>) semaphore(%arg11 : memref<!tpu.dma_semaphore, #tpu.memory_space<semaphore_mem>>)
    %dma_start3A_46 = arith.constant 640 : i32
    %dma_start3A_47 = arith.constant 0 : i32
    %dma_start3A_48 = tpu.memref_slice %arg8[%dma_start3A_46, %dma_start3A_47] : memref<2560x32xf32, #tpu.memory_space<vmem>> -> memref<128x32xf32, #tpu.memory_space<vmem>>
    %dma_start3A_49 = arith.constant 640 : i32
    %dma_start3A_50 = tpu.memref_slice %arg7[%dma_start3A_49] : memref<2560xi32, #tpu.memory_space<vmem>> -> memref<128xi32, #tpu.memory_space<vmem>>
    %dma_start3A_51 = arith.constant 0 : i32
    %dma_start3A_52 = arith.constant 0 : i32
    %dma_start3A_53 = tpu.memref_slice %arg3[%dma_start3A_51, %dma_start3A_52] : memref<1000000x32xf32, #tpu.memory_space<hbm>> -> memref<1000000x32xf32, #tpu.memory_space<hbm>>
    tpu.enqueue_indirect_dma source(%dma_start3A_53 : memref<1000000x32xf32, #tpu.memory_space<hbm>>) target(%dma_start3A_48 : memref<128x32xf32, #tpu.memory_space<vmem>>) offsets(%dma_start3A_50 : memref<128xi32, #tpu.memory_space<vmem>>) semaphore(%arg11 : memref<!tpu.dma_semaphore, #tpu.memory_space<semaphore_mem>>)
    %dma_start3A_54 = arith.constant 768 : i32
    %dma_start3A_55 = arith.constant 0 : i32
    %dma_start3A_56 = tpu.memref_slice %arg8[%dma_start3A_54, %dma_start3A_55] : memref<2560x32xf32, #tpu.memory_space<vmem>> -> memref<128x32xf32, #tpu.memory_space<vmem>>
    %dma_start3A_57 = arith.constant 768 : i32
    %dma_start3A_58 = tpu.memref_slice %arg7[%dma_start3A_57] : memref<2560xi32, #tpu.memory_space<vmem>> -> memref<128xi32, #tpu.memory_space<vmem>>
    %dma_start3A_59 = arith.constant 0 : i32
    %dma_start3A_60 = arith.constant 0 : i32
    %dma_start3A_61 = tpu.memref_slice %arg3[%dma_start3A_59, %dma_start3A_60] : memref<1000000x32xf32, #tpu.memory_space<hbm>> -> memref<1000000x32xf32, #tpu.memory_space<hbm>>
    tpu.enqueue_indirect_dma source(%dma_start3A_61 : memref<1000000x32xf32, #tpu.memory_space<hbm>>) target(%dma_start3A_56 : memref<128x32xf32, #tpu.memory_space<vmem>>) offsets(%dma_start3A_58 : memref<128xi32, #tpu.memory_space<vmem>>) semaphore(%arg11 : memref<!tpu.dma_semaphore, #tpu.memory_space<semaphore_mem>>)
    %dma_start3A_62 = arith.constant 896 : i32
    %dma_start3A_63 = arith.constant 0 : i32
    %dma_start3A_64 = tpu.memref_slice %arg8[%dma_start3A_62, %dma_start3A_63] : memref<2560x32xf32, #tpu.memory_space<vmem>> -> memref<128x32xf32, #tpu.memory_space<vmem>>
    %dma_start3A_65 = arith.constant 896 : i32
    %dma_start3A_66 = tpu.memref_slice %arg7[%dma_start3A_65] : memref<2560xi32, #tpu.memory_space<vmem>> -> memref<128xi32, #tpu.memory_space<vmem>>
    %dma_start3A_67 = arith.constant 0 : i32
    %dma_start3A_68 = arith.constant 0 : i32
    %dma_start3A_69 = tpu.memref_slice %arg3[%dma_start3A_67, %dma_start3A_68] : memref<1000000x32xf32, #tpu.memory_space<hbm>> -> memref<1000000x32xf32, #tpu.memory_space<hbm>>
    tpu.enqueue_indirect_dma source(%dma_start3A_69 : memref<1000000x32xf32, #tpu.memory_space<hbm>>) target(%dma_start3A_64 : memref<128x32xf32, #tpu.memory_space<vmem>>) offsets(%dma_start3A_66 : memref<128xi32, #tpu.memory_space<vmem>>) semaphore(%arg11 : memref<!tpu.dma_semaphore, #tpu.memory_space<semaphore_mem>>)
    %dma_start3A_70 = arith.constant 1024 : i32
    %dma_start3A_71 = arith.constant 0 : i32
    %dma_start3A_72 = tpu.memref_slice %arg8[%dma_start3A_70, %dma_start3A_71] : memref<2560x32xf32, #tpu.memory_space<vmem>> -> memref<128x32xf32, #tpu.memory_space<vmem>>
    %dma_start3A_73 = arith.constant 1024 : i32
    %dma_start3A_74 = tpu.memref_slice %arg7[%dma_start3A_73] : memref<2560xi32, #tpu.memory_space<vmem>> -> memref<128xi32, #tpu.memory_space<vmem>>
    %dma_start3A_75 = arith.constant 0 : i32
    %dma_start3A_76 = arith.constant 0 : i32
    %dma_start3A_77 = tpu.memref_slice %arg3[%dma_start3A_75, %dma_start3A_76] : memref<1000000x32xf32, #tpu.memory_space<hbm>> -> memref<1000000x32xf32, #tpu.memory_space<hbm>>
    tpu.enqueue_indirect_dma source(%dma_start3A_77 : memref<1000000x32xf32, #tpu.memory_space<hbm>>) target(%dma_start3A_72 : memref<128x32xf32, #tpu.memory_space<vmem>>) offsets(%dma_start3A_74 : memref<128xi32, #tpu.memory_space<vmem>>) semaphore(%arg11 : memref<!tpu.dma_semaphore, #tpu.memory_space<semaphore_mem>>)
    %dma_start3A_78 = arith.constant 1152 : i32
    %dma_start3A_79 = arith.constant 0 : i32
    %dma_start3A_80 = tpu.memref_slice %arg8[%dma_start3A_78, %dma_start3A_79] : memref<2560x32xf32, #tpu.memory_space<vmem>> -> memref<128x32xf32, #tpu.memory_space<vmem>>
    %dma_start3A_81 = arith.constant 1152 : i32
    %dma_start3A_82 = tpu.memref_slice %arg7[%dma_start3A_81] : memref<2560xi32, #tpu.memory_space<vmem>> -> memref<128xi32, #tpu.memory_space<vmem>>
    %dma_start3A_83 = arith.constant 0 : i32
    %dma_start3A_84 = arith.constant 0 : i32
    %dma_start3A_85 = tpu.memref_slice %arg3[%dma_start3A_83, %dma_start3A_84] : memref<1000000x32xf32, #tpu.memory_space<hbm>> -> memref<1000000x32xf32, #tpu.memory_space<hbm>>
    tpu.enqueue_indirect_dma source(%dma_start3A_85 : memref<1000000x32xf32, #tpu.memory_space<hbm>>) target(%dma_start3A_80 : memref<128x32xf32, #tpu.memory_space<vmem>>) offsets(%dma_start3A_82 : memref<128xi32, #tpu.memory_space<vmem>>) semaphore(%arg11 : memref<!tpu.dma_semaphore, #tpu.memory_space<semaphore_mem>>)
    %dma_start3A_86 = arith.constant 1280 : i32
    %dma_start3A_87 = arith.constant 0 : i32
    %dma_start3A_88 = tpu.memref_slice %arg8[%dma_start3A_86, %dma_start3A_87] : memref<2560x32xf32, #tpu.memory_space<vmem>> -> memref<128x32xf32, #tpu.memory_space<vmem>>
    %dma_start3A_89 = arith.constant 1280 : i32
    %dma_start3A_90 = tpu.memref_slice %arg7[%dma_start3A_89] : memref<2560xi32, #tpu.memory_space<vmem>> -> memref<128xi32, #tpu.memory_space<vmem>>
    %dma_start3A_91 = arith.constant 0 : i32
    %dma_start3A_92 = arith.constant 0 : i32
    %dma_start3A_93 = tpu.memref_slice %arg3[%dma_start3A_91, %dma_start3A_92] : memref<1000000x32xf32, #tpu.memory_space<hbm>> -> memref<1000000x32xf32, #tpu.memory_space<hbm>>
    tpu.enqueue_indirect_dma source(%dma_start3A_93 : memref<1000000x32xf32, #tpu.memory_space<hbm>>) target(%dma_start3A_88 : memref<128x32xf32, #tpu.memory_space<vmem>>) offsets(%dma_start3A_90 : memref<128xi32, #tpu.memory_space<vmem>>) semaphore(%arg11 : memref<!tpu.dma_semaphore, #tpu.memory_space<semaphore_mem>>)
    %dma_start3A_94 = arith.constant 1408 : i32
    %dma_start3A_95 = arith.constant 0 : i32
    %dma_start3A_96 = tpu.memref_slice %arg8[%dma_start3A_94, %dma_start3A_95] : memref<2560x32xf32, #tpu.memory_space<vmem>> -> memref<128x32xf32, #tpu.memory_space<vmem>>
    %dma_start3A_97 = arith.constant 1408 : i32
    %dma_start3A_98 = tpu.memref_slice %arg7[%dma_start3A_97] : memref<2560xi32, #tpu.memory_space<vmem>> -> memref<128xi32, #tpu.memory_space<vmem>>
    %dma_start3A_99 = arith.constant 0 : i32
    %dma_start3A_100 = arith.constant 0 : i32
    %dma_start3A_101 = tpu.memref_slice %arg3[%dma_start3A_99, %dma_start3A_100] : memref<1000000x32xf32, #tpu.memory_space<hbm>> -> memref<1000000x32xf32, #tpu.memory_space<hbm>>
    tpu.enqueue_indirect_dma source(%dma_start3A_101 : memref<1000000x32xf32, #tpu.memory_space<hbm>>) target(%dma_start3A_96 : memref<128x32xf32, #tpu.memory_space<vmem>>) offsets(%dma_start3A_98 : memref<128xi32, #tpu.memory_space<vmem>>) semaphore(%arg11 : memref<!tpu.dma_semaphore, #tpu.memory_space<semaphore_mem>>)
    %dma_start3A_102 = arith.constant 1536 : i32
    %dma_start3A_103 = arith.constant 0 : i32
    %dma_start3A_104 = tpu.memref_slice %arg8[%dma_start3A_102, %dma_start3A_103] : memref<2560x32xf32, #tpu.memory_space<vmem>> -> memref<128x32xf32, #tpu.memory_space<vmem>>
    %dma_start3A_105 = arith.constant 1536 : i32
    %dma_start3A_106 = tpu.memref_slice %arg7[%dma_start3A_105] : memref<2560xi32, #tpu.memory_space<vmem>> -> memref<128xi32, #tpu.memory_space<vmem>>
    %dma_start3A_107 = arith.constant 0 : i32
    %dma_start3A_108 = arith.constant 0 : i32
    %dma_start3A_109 = tpu.memref_slice %arg3[%dma_start3A_107, %dma_start3A_108] : memref<1000000x32xf32, #tpu.memory_space<hbm>> -> memref<1000000x32xf32, #tpu.memory_space<hbm>>
    tpu.enqueue_indirect_dma source(%dma_start3A_109 : memref<1000000x32xf32, #tpu.memory_space<hbm>>) target(%dma_start3A_104 : memref<128x32xf32, #tpu.memory_space<vmem>>) offsets(%dma_start3A_106 : memref<128xi32, #tpu.memory_space<vmem>>) semaphore(%arg11 : memref<!tpu.dma_semaphore, #tpu.memory_space<semaphore_mem>>)
    %dma_start3A_110 = arith.constant 1664 : i32
    %dma_start3A_111 = arith.constant 0 : i32
    %dma_start3A_112 = tpu.memref_slice %arg8[%dma_start3A_110, %dma_start3A_111] : memref<2560x32xf32, #tpu.memory_space<vmem>> -> memref<128x32xf32, #tpu.memory_space<vmem>>
    %dma_start3A_113 = arith.constant 1664 : i32
    %dma_start3A_114 = tpu.memref_slice %arg7[%dma_start3A_113] : memref<2560xi32, #tpu.memory_space<vmem>> -> memref<128xi32, #tpu.memory_space<vmem>>
    %dma_start3A_115 = arith.constant 0 : i32
    %dma_start3A_116 = arith.constant 0 : i32
    %dma_start3A_117 = tpu.memref_slice %arg3[%dma_start3A_115, %dma_start3A_116] : memref<1000000x32xf32, #tpu.memory_space<hbm>> -> memref<1000000x32xf32, #tpu.memory_space<hbm>>
    tpu.enqueue_indirect_dma source(%dma_start3A_117 : memref<1000000x32xf32, #tpu.memory_space<hbm>>) target(%dma_start3A_112 : memref<128x32xf32, #tpu.memory_space<vmem>>) offsets(%dma_start3A_114 : memref<128xi32, #tpu.memory_space<vmem>>) semaphore(%arg11 : memref<!tpu.dma_semaphore, #tpu.memory_space<semaphore_mem>>)
    %dma_start3A_118 = arith.constant 1792 : i32
    %dma_start3A_119 = arith.constant 0 : i32
    %dma_start3A_120 = tpu.memref_slice %arg8[%dma_start3A_118, %dma_start3A_119] : memref<2560x32xf32, #tpu.memory_space<vmem>> -> memref<128x32xf32, #tpu.memory_space<vmem>>
    %dma_start3A_121 = arith.constant 1792 : i32
    %dma_start3A_122 = tpu.memref_slice %arg7[%dma_start3A_121] : memref<2560xi32, #tpu.memory_space<vmem>> -> memref<128xi32, #tpu.memory_space<vmem>>
    %dma_start3A_123 = arith.constant 0 : i32
    %dma_start3A_124 = arith.constant 0 : i32
    %dma_start3A_125 = tpu.memref_slice %arg3[%dma_start3A_123, %dma_start3A_124] : memref<1000000x32xf32, #tpu.memory_space<hbm>> -> memref<1000000x32xf32, #tpu.memory_space<hbm>>
    tpu.enqueue_indirect_dma source(%dma_start3A_125 : memref<1000000x32xf32, #tpu.memory_space<hbm>>) target(%dma_start3A_120 : memref<128x32xf32, #tpu.memory_space<vmem>>) offsets(%dma_start3A_122 : memref<128xi32, #tpu.memory_space<vmem>>) semaphore(%arg11 : memref<!tpu.dma_semaphore, #tpu.memory_space<semaphore_mem>>)
    %dma_start3A_126 = arith.constant 1920 : i32
    %dma_start3A_127 = arith.constant 0 : i32
    %dma_start3A_128 = tpu.memref_slice %arg8[%dma_start3A_126, %dma_start3A_127] : memref<2560x32xf32, #tpu.memory_space<vmem>> -> memref<128x32xf32, #tpu.memory_space<vmem>>
    %dma_start3A_129 = arith.constant 1920 : i32
    %dma_start3A_130 = tpu.memref_slice %arg7[%dma_start3A_129] : memref<2560xi32, #tpu.memory_space<vmem>> -> memref<128xi32, #tpu.memory_space<vmem>>
    %dma_start3A_131 = arith.constant 0 : i32
    %dma_start3A_132 = arith.constant 0 : i32
    %dma_start3A_133 = tpu.memref_slice %arg3[%dma_start3A_131, %dma_start3A_132] : memref<1000000x32xf32, #tpu.memory_space<hbm>> -> memref<1000000x32xf32, #tpu.memory_space<hbm>>
    tpu.enqueue_indirect_dma source(%dma_start3A_133 : memref<1000000x32xf32, #tpu.memory_space<hbm>>) target(%dma_start3A_128 : memref<128x32xf32, #tpu.memory_space<vmem>>) offsets(%dma_start3A_130 : memref<128xi32, #tpu.memory_space<vmem>>) semaphore(%arg11 : memref<!tpu.dma_semaphore, #tpu.memory_space<semaphore_mem>>)
    %dma_start3A_134 = arith.constant 2048 : i32
    %dma_start3A_135 = arith.constant 0 : i32
    %dma_start3A_136 = tpu.memref_slice %arg8[%dma_start3A_134, %dma_start3A_135] : memref<2560x32xf32, #tpu.memory_space<vmem>> -> memref<128x32xf32, #tpu.memory_space<vmem>>
    %dma_start3A_137 = arith.constant 2048 : i32
    %dma_start3A_138 = tpu.memref_slice %arg7[%dma_start3A_137] : memref<2560xi32, #tpu.memory_space<vmem>> -> memref<128xi32, #tpu.memory_space<vmem>>
    %dma_start3A_139 = arith.constant 0 : i32
    %dma_start3A_140 = arith.constant 0 : i32
    %dma_start3A_141 = tpu.memref_slice %arg3[%dma_start3A_139, %dma_start3A_140] : memref<1000000x32xf32, #tpu.memory_space<hbm>> -> memref<1000000x32xf32, #tpu.memory_space<hbm>>
    tpu.enqueue_indirect_dma source(%dma_start3A_141 : memref<1000000x32xf32, #tpu.memory_space<hbm>>) target(%dma_start3A_136 : memref<128x32xf32, #tpu.memory_space<vmem>>) offsets(%dma_start3A_138 : memref<128xi32, #tpu.memory_space<vmem>>) semaphore(%arg11 : memref<!tpu.dma_semaphore, #tpu.memory_space<semaphore_mem>>)
    %dma_start3A_142 = arith.constant 2176 : i32
    %dma_start3A_143 = arith.constant 0 : i32
    %dma_start3A_144 = tpu.memref_slice %arg8[%dma_start3A_142, %dma_start3A_143] : memref<2560x32xf32, #tpu.memory_space<vmem>> -> memref<128x32xf32, #tpu.memory_space<vmem>>
    %dma_start3A_145 = arith.constant 2176 : i32
    %dma_start3A_146 = tpu.memref_slice %arg7[%dma_start3A_145] : memref<2560xi32, #tpu.memory_space<vmem>> -> memref<128xi32, #tpu.memory_space<vmem>>
    %dma_start3A_147 = arith.constant 0 : i32
    %dma_start3A_148 = arith.constant 0 : i32
    %dma_start3A_149 = tpu.memref_slice %arg3[%dma_start3A_147, %dma_start3A_148] : memref<1000000x32xf32, #tpu.memory_space<hbm>> -> memref<1000000x32xf32, #tpu.memory_space<hbm>>
    tpu.enqueue_indirect_dma source(%dma_start3A_149 : memref<1000000x32xf32, #tpu.memory_space<hbm>>) target(%dma_start3A_144 : memref<128x32xf32, #tpu.memory_space<vmem>>) offsets(%dma_start3A_146 : memref<128xi32, #tpu.memory_space<vmem>>) semaphore(%arg11 : memref<!tpu.dma_semaphore, #tpu.memory_space<semaphore_mem>>)
    %dma_start3A_150 = arith.constant 2304 : i32
    %dma_start3A_151 = arith.constant 0 : i32
    %dma_start3A_152 = tpu.memref_slice %arg8[%dma_start3A_150, %dma_start3A_151] : memref<2560x32xf32, #tpu.memory_space<vmem>> -> memref<128x32xf32, #tpu.memory_space<vmem>>
    %dma_start3A_153 = arith.constant 2304 : i32
    %dma_start3A_154 = tpu.memref_slice %arg7[%dma_start3A_153] : memref<2560xi32, #tpu.memory_space<vmem>> -> memref<128xi32, #tpu.memory_space<vmem>>
    %dma_start3A_155 = arith.constant 0 : i32
    %dma_start3A_156 = arith.constant 0 : i32
    %dma_start3A_157 = tpu.memref_slice %arg3[%dma_start3A_155, %dma_start3A_156] : memref<1000000x32xf32, #tpu.memory_space<hbm>> -> memref<1000000x32xf32, #tpu.memory_space<hbm>>
    tpu.enqueue_indirect_dma source(%dma_start3A_157 : memref<1000000x32xf32, #tpu.memory_space<hbm>>) target(%dma_start3A_152 : memref<128x32xf32, #tpu.memory_space<vmem>>) offsets(%dma_start3A_154 : memref<128xi32, #tpu.memory_space<vmem>>) semaphore(%arg11 : memref<!tpu.dma_semaphore, #tpu.memory_space<semaphore_mem>>)
    %dma_start3A_158 = arith.constant 2432 : i32
    %dma_start3A_159 = arith.constant 0 : i32
    %dma_start3A_160 = tpu.memref_slice %arg8[%dma_start3A_158, %dma_start3A_159] : memref<2560x32xf32, #tpu.memory_space<vmem>> -> memref<128x32xf32, #tpu.memory_space<vmem>>
    %dma_start3A_161 = arith.constant 2432 : i32
    %dma_start3A_162 = tpu.memref_slice %arg7[%dma_start3A_161] : memref<2560xi32, #tpu.memory_space<vmem>> -> memref<128xi32, #tpu.memory_space<vmem>>
    %dma_start3A_163 = arith.constant 0 : i32
    %dma_start3A_164 = arith.constant 0 : i32
    %dma_start3A_165 = tpu.memref_slice %arg3[%dma_start3A_163, %dma_start3A_164] : memref<1000000x32xf32, #tpu.memory_space<hbm>> -> memref<1000000x32xf32, #tpu.memory_space<hbm>>
    tpu.enqueue_indirect_dma source(%dma_start3A_165 : memref<1000000x32xf32, #tpu.memory_space<hbm>>) target(%dma_start3A_160 : memref<128x32xf32, #tpu.memory_space<vmem>>) offsets(%dma_start3A_162 : memref<128xi32, #tpu.memory_space<vmem>>) semaphore(%arg11 : memref<!tpu.dma_semaphore, #tpu.memory_space<semaphore_mem>>)
    %dma_wait3A = arith.constant 0 : i32
    %dma_wait3A_166 = arith.constant 0 : i32
    %dma_wait3A_167 = tpu.memref_slice %arg8[%dma_wait3A, %dma_wait3A_166] : memref<2560x32xf32, #tpu.memory_space<vmem>> -> memref<128x32xf32, #tpu.memory_space<vmem>>
    %dma_wait3A_168 = arith.constant 0 : i32
    %dma_wait3A_169 = tpu.memref_slice %arg7[%dma_wait3A_168] : memref<2560xi32, #tpu.memory_space<vmem>> -> memref<128xi32, #tpu.memory_space<vmem>>
    %dma_wait3A_170 = arith.constant 0 : i32
    %dma_wait3A_171 = arith.constant 0 : i32
    %dma_wait3A_172 = tpu.memref_slice %arg3[%dma_wait3A_170, %dma_wait3A_171] : memref<1000000x32xf32, #tpu.memory_space<hbm>> -> memref<1000000x32xf32, #tpu.memory_space<hbm>>
    tpu.wait_indirect_dma semaphore(%arg11 : memref<!tpu.dma_semaphore, #tpu.memory_space<semaphore_mem>>) src(%dma_wait3A_172 : memref<1000000x32xf32, #tpu.memory_space<hbm>>) dst(%dma_wait3A_167 : memref<128x32xf32, #tpu.memory_space<vmem>>)
    %dma_wait3A_173 = arith.constant 128 : i32
    %dma_wait3A_174 = arith.constant 0 : i32
    %dma_wait3A_175 = tpu.memref_slice %arg8[%dma_wait3A_173, %dma_wait3A_174] : memref<2560x32xf32, #tpu.memory_space<vmem>> -> memref<128x32xf32, #tpu.memory_space<vmem>>
    %dma_wait3A_176 = arith.constant 128 : i32
    %dma_wait3A_177 = tpu.memref_slice %arg7[%dma_wait3A_176] : memref<2560xi32, #tpu.memory_space<vmem>> -> memref<128xi32, #tpu.memory_space<vmem>>
    %dma_wait3A_178 = arith.constant 0 : i32
    %dma_wait3A_179 = arith.constant 0 : i32
    %dma_wait3A_180 = tpu.memref_slice %arg3[%dma_wait3A_178, %dma_wait3A_179] : memref<1000000x32xf32, #tpu.memory_space<hbm>> -> memref<1000000x32xf32, #tpu.memory_space<hbm>>
    tpu.wait_indirect_dma semaphore(%arg11 : memref<!tpu.dma_semaphore, #tpu.memory_space<semaphore_mem>>) src(%dma_wait3A_180 : memref<1000000x32xf32, #tpu.memory_space<hbm>>) dst(%dma_wait3A_175 : memref<128x32xf32, #tpu.memory_space<vmem>>)
    %dma_wait3A_181 = arith.constant 256 : i32
    %dma_wait3A_182 = arith.constant 0 : i32
    %dma_wait3A_183 = tpu.memref_slice %arg8[%dma_wait3A_181, %dma_wait3A_182] : memref<2560x32xf32, #tpu.memory_space<vmem>> -> memref<128x32xf32, #tpu.memory_space<vmem>>
    %dma_wait3A_184 = arith.constant 256 : i32
    %dma_wait3A_185 = tpu.memref_slice %arg7[%dma_wait3A_184] : memref<2560xi32, #tpu.memory_space<vmem>> -> memref<128xi32, #tpu.memory_space<vmem>>
    %dma_wait3A_186 = arith.constant 0 : i32
    %dma_wait3A_187 = arith.constant 0 : i32
    %dma_wait3A_188 = tpu.memref_slice %arg3[%dma_wait3A_186, %dma_wait3A_187] : memref<1000000x32xf32, #tpu.memory_space<hbm>> -> memref<1000000x32xf32, #tpu.memory_space<hbm>>
    tpu.wait_indirect_dma semaphore(%arg11 : memref<!tpu.dma_semaphore, #tpu.memory_space<semaphore_mem>>) src(%dma_wait3A_188 : memref<1000000x32xf32, #tpu.memory_space<hbm>>) dst(%dma_wait3A_183 : memref<128x32xf32, #tpu.memory_space<vmem>>)
    %dma_wait3A_189 = arith.constant 384 : i32
    %dma_wait3A_190 = arith.constant 0 : i32
    %dma_wait3A_191 = tpu.memref_slice %arg8[%dma_wait3A_189, %dma_wait3A_190] : memref<2560x32xf32, #tpu.memory_space<vmem>> -> memref<128x32xf32, #tpu.memory_space<vmem>>
    %dma_wait3A_192 = arith.constant 384 : i32
    %dma_wait3A_193 = tpu.memref_slice %arg7[%dma_wait3A_192] : memref<2560xi32, #tpu.memory_space<vmem>> -> memref<128xi32, #tpu.memory_space<vmem>>
    %dma_wait3A_194 = arith.constant 0 : i32
    %dma_wait3A_195 = arith.constant 0 : i32
    %dma_wait3A_196 = tpu.memref_slice %arg3[%dma_wait3A_194, %dma_wait3A_195] : memref<1000000x32xf32, #tpu.memory_space<hbm>> -> memref<1000000x32xf32, #tpu.memory_space<hbm>>
    tpu.wait_indirect_dma semaphore(%arg11 : memref<!tpu.dma_semaphore, #tpu.memory_space<semaphore_mem>>) src(%dma_wait3A_196 : memref<1000000x32xf32, #tpu.memory_space<hbm>>) dst(%dma_wait3A_191 : memref<128x32xf32, #tpu.memory_space<vmem>>)
    %dma_wait3A_197 = arith.constant 512 : i32
    %dma_wait3A_198 = arith.constant 0 : i32
    %dma_wait3A_199 = tpu.memref_slice %arg8[%dma_wait3A_197, %dma_wait3A_198] : memref<2560x32xf32, #tpu.memory_space<vmem>> -> memref<128x32xf32, #tpu.memory_space<vmem>>
    %dma_wait3A_200 = arith.constant 512 : i32
    %dma_wait3A_201 = tpu.memref_slice %arg7[%dma_wait3A_200] : memref<2560xi32, #tpu.memory_space<vmem>> -> memref<128xi32, #tpu.memory_space<vmem>>
    %dma_wait3A_202 = arith.constant 0 : i32
    %dma_wait3A_203 = arith.constant 0 : i32
    %dma_wait3A_204 = tpu.memref_slice %arg3[%dma_wait3A_202, %dma_wait3A_203] : memref<1000000x32xf32, #tpu.memory_space<hbm>> -> memref<1000000x32xf32, #tpu.memory_space<hbm>>
    tpu.wait_indirect_dma semaphore(%arg11 : memref<!tpu.dma_semaphore, #tpu.memory_space<semaphore_mem>>) src(%dma_wait3A_204 : memref<1000000x32xf32, #tpu.memory_space<hbm>>) dst(%dma_wait3A_199 : memref<128x32xf32, #tpu.memory_space<vmem>>)
    %dma_wait3A_205 = arith.constant 640 : i32
    %dma_wait3A_206 = arith.constant 0 : i32
    %dma_wait3A_207 = tpu.memref_slice %arg8[%dma_wait3A_205, %dma_wait3A_206] : memref<2560x32xf32, #tpu.memory_space<vmem>> -> memref<128x32xf32, #tpu.memory_space<vmem>>
    %dma_wait3A_208 = arith.constant 640 : i32
    %dma_wait3A_209 = tpu.memref_slice %arg7[%dma_wait3A_208] : memref<2560xi32, #tpu.memory_space<vmem>> -> memref<128xi32, #tpu.memory_space<vmem>>
    %dma_wait3A_210 = arith.constant 0 : i32
    %dma_wait3A_211 = arith.constant 0 : i32
    %dma_wait3A_212 = tpu.memref_slice %arg3[%dma_wait3A_210, %dma_wait3A_211] : memref<1000000x32xf32, #tpu.memory_space<hbm>> -> memref<1000000x32xf32, #tpu.memory_space<hbm>>
    tpu.wait_indirect_dma semaphore(%arg11 : memref<!tpu.dma_semaphore, #tpu.memory_space<semaphore_mem>>) src(%dma_wait3A_212 : memref<1000000x32xf32, #tpu.memory_space<hbm>>) dst(%dma_wait3A_207 : memref<128x32xf32, #tpu.memory_space<vmem>>)
    %dma_wait3A_213 = arith.constant 768 : i32
    %dma_wait3A_214 = arith.constant 0 : i32
    %dma_wait3A_215 = tpu.memref_slice %arg8[%dma_wait3A_213, %dma_wait3A_214] : memref<2560x32xf32, #tpu.memory_space<vmem>> -> memref<128x32xf32, #tpu.memory_space<vmem>>
    %dma_wait3A_216 = arith.constant 768 : i32
    %dma_wait3A_217 = tpu.memref_slice %arg7[%dma_wait3A_216] : memref<2560xi32, #tpu.memory_space<vmem>> -> memref<128xi32, #tpu.memory_space<vmem>>
    %dma_wait3A_218 = arith.constant 0 : i32
    %dma_wait3A_219 = arith.constant 0 : i32
    %dma_wait3A_220 = tpu.memref_slice %arg3[%dma_wait3A_218, %dma_wait3A_219] : memref<1000000x32xf32, #tpu.memory_space<hbm>> -> memref<1000000x32xf32, #tpu.memory_space<hbm>>
    tpu.wait_indirect_dma semaphore(%arg11 : memref<!tpu.dma_semaphore, #tpu.memory_space<semaphore_mem>>) src(%dma_wait3A_220 : memref<1000000x32xf32, #tpu.memory_space<hbm>>) dst(%dma_wait3A_215 : memref<128x32xf32, #tpu.memory_space<vmem>>)
    %dma_wait3A_221 = arith.constant 896 : i32
    %dma_wait3A_222 = arith.constant 0 : i32
    %dma_wait3A_223 = tpu.memref_slice %arg8[%dma_wait3A_221, %dma_wait3A_222] : memref<2560x32xf32, #tpu.memory_space<vmem>> -> memref<128x32xf32, #tpu.memory_space<vmem>>
    %dma_wait3A_224 = arith.constant 896 : i32
    %dma_wait3A_225 = tpu.memref_slice %arg7[%dma_wait3A_224] : memref<2560xi32, #tpu.memory_space<vmem>> -> memref<128xi32, #tpu.memory_space<vmem>>
    %dma_wait3A_226 = arith.constant 0 : i32
    %dma_wait3A_227 = arith.constant 0 : i32
    %dma_wait3A_228 = tpu.memref_slice %arg3[%dma_wait3A_226, %dma_wait3A_227] : memref<1000000x32xf32, #tpu.memory_space<hbm>> -> memref<1000000x32xf32, #tpu.memory_space<hbm>>
    tpu.wait_indirect_dma semaphore(%arg11 : memref<!tpu.dma_semaphore, #tpu.memory_space<semaphore_mem>>) src(%dma_wait3A_228 : memref<1000000x32xf32, #tpu.memory_space<hbm>>) dst(%dma_wait3A_223 : memref<128x32xf32, #tpu.memory_space<vmem>>)
    %dma_wait3A_229 = arith.constant 1024 : i32
    %dma_wait3A_230 = arith.constant 0 : i32
    %dma_wait3A_231 = tpu.memref_slice %arg8[%dma_wait3A_229, %dma_wait3A_230] : memref<2560x32xf32, #tpu.memory_space<vmem>> -> memref<128x32xf32, #tpu.memory_space<vmem>>
    %dma_wait3A_232 = arith.constant 1024 : i32
    %dma_wait3A_233 = tpu.memref_slice %arg7[%dma_wait3A_232] : memref<2560xi32, #tpu.memory_space<vmem>> -> memref<128xi32, #tpu.memory_space<vmem>>
    %dma_wait3A_234 = arith.constant 0 : i32
    %dma_wait3A_235 = arith.constant 0 : i32
    %dma_wait3A_236 = tpu.memref_slice %arg3[%dma_wait3A_234, %dma_wait3A_235] : memref<1000000x32xf32, #tpu.memory_space<hbm>> -> memref<1000000x32xf32, #tpu.memory_space<hbm>>
    tpu.wait_indirect_dma semaphore(%arg11 : memref<!tpu.dma_semaphore, #tpu.memory_space<semaphore_mem>>) src(%dma_wait3A_236 : memref<1000000x32xf32, #tpu.memory_space<hbm>>) dst(%dma_wait3A_231 : memref<128x32xf32, #tpu.memory_space<vmem>>)
    %dma_wait3A_237 = arith.constant 1152 : i32
    %dma_wait3A_238 = arith.constant 0 : i32
    %dma_wait3A_239 = tpu.memref_slice %arg8[%dma_wait3A_237, %dma_wait3A_238] : memref<2560x32xf32, #tpu.memory_space<vmem>> -> memref<128x32xf32, #tpu.memory_space<vmem>>
    %dma_wait3A_240 = arith.constant 1152 : i32
    %dma_wait3A_241 = tpu.memref_slice %arg7[%dma_wait3A_240] : memref<2560xi32, #tpu.memory_space<vmem>> -> memref<128xi32, #tpu.memory_space<vmem>>
    %dma_wait3A_242 = arith.constant 0 : i32
    %dma_wait3A_243 = arith.constant 0 : i32
    %dma_wait3A_244 = tpu.memref_slice %arg3[%dma_wait3A_242, %dma_wait3A_243] : memref<1000000x32xf32, #tpu.memory_space<hbm>> -> memref<1000000x32xf32, #tpu.memory_space<hbm>>
    tpu.wait_indirect_dma semaphore(%arg11 : memref<!tpu.dma_semaphore, #tpu.memory_space<semaphore_mem>>) src(%dma_wait3A_244 : memref<1000000x32xf32, #tpu.memory_space<hbm>>) dst(%dma_wait3A_239 : memref<128x32xf32, #tpu.memory_space<vmem>>)
    %dma_wait3A_245 = arith.constant 1280 : i32
    %dma_wait3A_246 = arith.constant 0 : i32
    %dma_wait3A_247 = tpu.memref_slice %arg8[%dma_wait3A_245, %dma_wait3A_246] : memref<2560x32xf32, #tpu.memory_space<vmem>> -> memref<128x32xf32, #tpu.memory_space<vmem>>
    %dma_wait3A_248 = arith.constant 1280 : i32
    %dma_wait3A_249 = tpu.memref_slice %arg7[%dma_wait3A_248] : memref<2560xi32, #tpu.memory_space<vmem>> -> memref<128xi32, #tpu.memory_space<vmem>>
    %dma_wait3A_250 = arith.constant 0 : i32
    %dma_wait3A_251 = arith.constant 0 : i32
    %dma_wait3A_252 = tpu.memref_slice %arg3[%dma_wait3A_250, %dma_wait3A_251] : memref<1000000x32xf32, #tpu.memory_space<hbm>> -> memref<1000000x32xf32, #tpu.memory_space<hbm>>
    tpu.wait_indirect_dma semaphore(%arg11 : memref<!tpu.dma_semaphore, #tpu.memory_space<semaphore_mem>>) src(%dma_wait3A_252 : memref<1000000x32xf32, #tpu.memory_space<hbm>>) dst(%dma_wait3A_247 : memref<128x32xf32, #tpu.memory_space<vmem>>)
    %dma_wait3A_253 = arith.constant 1408 : i32
    %dma_wait3A_254 = arith.constant 0 : i32
    %dma_wait3A_255 = tpu.memref_slice %arg8[%dma_wait3A_253, %dma_wait3A_254] : memref<2560x32xf32, #tpu.memory_space<vmem>> -> memref<128x32xf32, #tpu.memory_space<vmem>>
    %dma_wait3A_256 = arith.constant 1408 : i32
    %dma_wait3A_257 = tpu.memref_slice %arg7[%dma_wait3A_256] : memref<2560xi32, #tpu.memory_space<vmem>> -> memref<128xi32, #tpu.memory_space<vmem>>
    %dma_wait3A_258 = arith.constant 0 : i32
    %dma_wait3A_259 = arith.constant 0 : i32
    %dma_wait3A_260 = tpu.memref_slice %arg3[%dma_wait3A_258, %dma_wait3A_259] : memref<1000000x32xf32, #tpu.memory_space<hbm>> -> memref<1000000x32xf32, #tpu.memory_space<hbm>>
    tpu.wait_indirect_dma semaphore(%arg11 : memref<!tpu.dma_semaphore, #tpu.memory_space<semaphore_mem>>) src(%dma_wait3A_260 : memref<1000000x32xf32, #tpu.memory_space<hbm>>) dst(%dma_wait3A_255 : memref<128x32xf32, #tpu.memory_space<vmem>>)
    %dma_wait3A_261 = arith.constant 1536 : i32
    %dma_wait3A_262 = arith.constant 0 : i32
    %dma_wait3A_263 = tpu.memref_slice %arg8[%dma_wait3A_261, %dma_wait3A_262] : memref<2560x32xf32, #tpu.memory_space<vmem>> -> memref<128x32xf32, #tpu.memory_space<vmem>>
    %dma_wait3A_264 = arith.constant 1536 : i32
    %dma_wait3A_265 = tpu.memref_slice %arg7[%dma_wait3A_264] : memref<2560xi32, #tpu.memory_space<vmem>> -> memref<128xi32, #tpu.memory_space<vmem>>
    %dma_wait3A_266 = arith.constant 0 : i32
    %dma_wait3A_267 = arith.constant 0 : i32
    %dma_wait3A_268 = tpu.memref_slice %arg3[%dma_wait3A_266, %dma_wait3A_267] : memref<1000000x32xf32, #tpu.memory_space<hbm>> -> memref<1000000x32xf32, #tpu.memory_space<hbm>>
    tpu.wait_indirect_dma semaphore(%arg11 : memref<!tpu.dma_semaphore, #tpu.memory_space<semaphore_mem>>) src(%dma_wait3A_268 : memref<1000000x32xf32, #tpu.memory_space<hbm>>) dst(%dma_wait3A_263 : memref<128x32xf32, #tpu.memory_space<vmem>>)
    %dma_wait3A_269 = arith.constant 1664 : i32
    %dma_wait3A_270 = arith.constant 0 : i32
    %dma_wait3A_271 = tpu.memref_slice %arg8[%dma_wait3A_269, %dma_wait3A_270] : memref<2560x32xf32, #tpu.memory_space<vmem>> -> memref<128x32xf32, #tpu.memory_space<vmem>>
    %dma_wait3A_272 = arith.constant 1664 : i32
    %dma_wait3A_273 = tpu.memref_slice %arg7[%dma_wait3A_272] : memref<2560xi32, #tpu.memory_space<vmem>> -> memref<128xi32, #tpu.memory_space<vmem>>
    %dma_wait3A_274 = arith.constant 0 : i32
    %dma_wait3A_275 = arith.constant 0 : i32
    %dma_wait3A_276 = tpu.memref_slice %arg3[%dma_wait3A_274, %dma_wait3A_275] : memref<1000000x32xf32, #tpu.memory_space<hbm>> -> memref<1000000x32xf32, #tpu.memory_space<hbm>>
    tpu.wait_indirect_dma semaphore(%arg11 : memref<!tpu.dma_semaphore, #tpu.memory_space<semaphore_mem>>) src(%dma_wait3A_276 : memref<1000000x32xf32, #tpu.memory_space<hbm>>) dst(%dma_wait3A_271 : memref<128x32xf32, #tpu.memory_space<vmem>>)
    %dma_wait3A_277 = arith.constant 1792 : i32
    %dma_wait3A_278 = arith.constant 0 : i32
    %dma_wait3A_279 = tpu.memref_slice %arg8[%dma_wait3A_277, %dma_wait3A_278] : memref<2560x32xf32, #tpu.memory_space<vmem>> -> memref<128x32xf32, #tpu.memory_space<vmem>>
    %dma_wait3A_280 = arith.constant 1792 : i32
    %dma_wait3A_281 = tpu.memref_slice %arg7[%dma_wait3A_280] : memref<2560xi32, #tpu.memory_space<vmem>> -> memref<128xi32, #tpu.memory_space<vmem>>
    %dma_wait3A_282 = arith.constant 0 : i32
    %dma_wait3A_283 = arith.constant 0 : i32
    %dma_wait3A_284 = tpu.memref_slice %arg3[%dma_wait3A_282, %dma_wait3A_283] : memref<1000000x32xf32, #tpu.memory_space<hbm>> -> memref<1000000x32xf32, #tpu.memory_space<hbm>>
    tpu.wait_indirect_dma semaphore(%arg11 : memref<!tpu.dma_semaphore, #tpu.memory_space<semaphore_mem>>) src(%dma_wait3A_284 : memref<1000000x32xf32, #tpu.memory_space<hbm>>) dst(%dma_wait3A_279 : memref<128x32xf32, #tpu.memory_space<vmem>>)
    %dma_wait3A_285 = arith.constant 1920 : i32
    %dma_wait3A_286 = arith.constant 0 : i32
    %dma_wait3A_287 = tpu.memref_slice %arg8[%dma_wait3A_285, %dma_wait3A_286] : memref<2560x32xf32, #tpu.memory_space<vmem>> -> memref<128x32xf32, #tpu.memory_space<vmem>>
    %dma_wait3A_288 = arith.constant 1920 : i32
    %dma_wait3A_289 = tpu.memref_slice %arg7[%dma_wait3A_288] : memref<2560xi32, #tpu.memory_space<vmem>> -> memref<128xi32, #tpu.memory_space<vmem>>
    %dma_wait3A_290 = arith.constant 0 : i32
    %dma_wait3A_291 = arith.constant 0 : i32
    %dma_wait3A_292 = tpu.memref_slice %arg3[%dma_wait3A_290, %dma_wait3A_291] : memref<1000000x32xf32, #tpu.memory_space<hbm>> -> memref<1000000x32xf32, #tpu.memory_space<hbm>>
    tpu.wait_indirect_dma semaphore(%arg11 : memref<!tpu.dma_semaphore, #tpu.memory_space<semaphore_mem>>) src(%dma_wait3A_292 : memref<1000000x32xf32, #tpu.memory_space<hbm>>) dst(%dma_wait3A_287 : memref<128x32xf32, #tpu.memory_space<vmem>>)
    %dma_wait3A_293 = arith.constant 2048 : i32
    %dma_wait3A_294 = arith.constant 0 : i32
    %dma_wait3A_295 = tpu.memref_slice %arg8[%dma_wait3A_293, %dma_wait3A_294] : memref<2560x32xf32, #tpu.memory_space<vmem>> -> memref<128x32xf32, #tpu.memory_space<vmem>>
    %dma_wait3A_296 = arith.constant 2048 : i32
    %dma_wait3A_297 = tpu.memref_slice %arg7[%dma_wait3A_296] : memref<2560xi32, #tpu.memory_space<vmem>> -> memref<128xi32, #tpu.memory_space<vmem>>
    %dma_wait3A_298 = arith.constant 0 : i32
    %dma_wait3A_299 = arith.constant 0 : i32
    %dma_wait3A_300 = tpu.memref_slice %arg3[%dma_wait3A_298, %dma_wait3A_299] : memref<1000000x32xf32, #tpu.memory_space<hbm>> -> memref<1000000x32xf32, #tpu.memory_space<hbm>>
    tpu.wait_indirect_dma semaphore(%arg11 : memref<!tpu.dma_semaphore, #tpu.memory_space<semaphore_mem>>) src(%dma_wait3A_300 : memref<1000000x32xf32, #tpu.memory_space<hbm>>) dst(%dma_wait3A_295 : memref<128x32xf32, #tpu.memory_space<vmem>>)
    %dma_wait3A_301 = arith.constant 2176 : i32
    %dma_wait3A_302 = arith.constant 0 : i32
    %dma_wait3A_303 = tpu.memref_slice %arg8[%dma_wait3A_301, %dma_wait3A_302] : memref<2560x32xf32, #tpu.memory_space<vmem>> -> memref<128x32xf32, #tpu.memory_space<vmem>>
    %dma_wait3A_304 = arith.constant 2176 : i32
    %dma_wait3A_305 = tpu.memref_slice %arg7[%dma_wait3A_304] : memref<2560xi32, #tpu.memory_space<vmem>> -> memref<128xi32, #tpu.memory_space<vmem>>
    %dma_wait3A_306 = arith.constant 0 : i32
    %dma_wait3A_307 = arith.constant 0 : i32
    %dma_wait3A_308 = tpu.memref_slice %arg3[%dma_wait3A_306, %dma_wait3A_307] : memref<1000000x32xf32, #tpu.memory_space<hbm>> -> memref<1000000x32xf32, #tpu.memory_space<hbm>>
    tpu.wait_indirect_dma semaphore(%arg11 : memref<!tpu.dma_semaphore, #tpu.memory_space<semaphore_mem>>) src(%dma_wait3A_308 : memref<1000000x32xf32, #tpu.memory_space<hbm>>) dst(%dma_wait3A_303 : memref<128x32xf32, #tpu.memory_space<vmem>>)
    %dma_wait3A_309 = arith.constant 2304 : i32
    %dma_wait3A_310 = arith.constant 0 : i32
    %dma_wait3A_311 = tpu.memref_slice %arg8[%dma_wait3A_309, %dma_wait3A_310] : memref<2560x32xf32, #tpu.memory_space<vmem>> -> memref<128x32xf32, #tpu.memory_space<vmem>>
    %dma_wait3A_312 = arith.constant 2304 : i32
    %dma_wait3A_313 = tpu.memref_slice %arg7[%dma_wait3A_312] : memref<2560xi32, #tpu.memory_space<vmem>> -> memref<128xi32, #tpu.memory_space<vmem>>
    %dma_wait3A_314 = arith.constant 0 : i32
    %dma_wait3A_315 = arith.constant 0 : i32
    %dma_wait3A_316 = tpu.memref_slice %arg3[%dma_wait3A_314, %dma_wait3A_315] : memref<1000000x32xf32, #tpu.memory_space<hbm>> -> memref<1000000x32xf32, #tpu.memory_space<hbm>>
    tpu.wait_indirect_dma semaphore(%arg11 : memref<!tpu.dma_semaphore, #tpu.memory_space<semaphore_mem>>) src(%dma_wait3A_316 : memref<1000000x32xf32, #tpu.memory_space<hbm>>) dst(%dma_wait3A_311 : memref<128x32xf32, #tpu.memory_space<vmem>>)
    %dma_wait3A_317 = arith.constant 2432 : i32
    %dma_wait3A_318 = arith.constant 0 : i32
    %dma_wait3A_319 = tpu.memref_slice %arg8[%dma_wait3A_317, %dma_wait3A_318] : memref<2560x32xf32, #tpu.memory_space<vmem>> -> memref<128x32xf32, #tpu.memory_space<vmem>>
    %dma_wait3A_320 = arith.constant 2432 : i32
    %dma_wait3A_321 = tpu.memref_slice %arg7[%dma_wait3A_320] : memref<2560xi32, #tpu.memory_space<vmem>> -> memref<128xi32, #tpu.memory_space<vmem>>
    %dma_wait3A_322 = arith.constant 0 : i32
    %dma_wait3A_323 = arith.constant 0 : i32
    %dma_wait3A_324 = tpu.memref_slice %arg3[%dma_wait3A_322, %dma_wait3A_323] : memref<1000000x32xf32, #tpu.memory_space<hbm>> -> memref<1000000x32xf32, #tpu.memory_space<hbm>>
    tpu.wait_indirect_dma semaphore(%arg11 : memref<!tpu.dma_semaphore, #tpu.memory_space<semaphore_mem>>) src(%dma_wait3A_324 : memref<1000000x32xf32, #tpu.memory_space<hbm>>) dst(%dma_wait3A_319 : memref<128x32xf32, #tpu.memory_space<vmem>>)
    %get3A = arith.constant 0 : index
    %get3A_325 = tpu.vector_load %arg10[%get3A] {strides = array<i32>} : memref<640xf32, #tpu.memory_space<vmem>>, vector<16xf32>,
    %get3A_326 = vector.shape_cast %get3A_325 : vector<16xf32> to vector<16xf32>
    %get3A_327 = arith.constant 16 : index
    %get3A_328 = tpu.vector_load %arg10[%get3A_327] {strides = array<i32>} : memref<640xf32, #tpu.memory_space<vmem>>, vector<16xf32>,
    %get3A_329 = vector.shape_cast %get3A_328 : vector<16xf32> to vector<16xf32>
    %get3A_330 = arith.constant 32 : index
    %get3A_331 = tpu.vector_load %arg10[%get3A_330] {strides = array<i32>} : memref<640xf32, #tpu.memory_space<vmem>>, vector<16xf32>,
    %get3A_332 = vector.shape_cast %get3A_331 : vector<16xf32> to vector<16xf32>
    %get3A_333 = arith.constant 48 : index
    %get3A_334 = tpu.vector_load %arg10[%get3A_333] {strides = array<i32>} : memref<640xf32, #tpu.memory_space<vmem>>, vector<16xf32>,
    %get3A_335 = vector.shape_cast %get3A_334 : vector<16xf32> to vector<16xf32>
    %get3A_336 = arith.constant 64 : index
    %get3A_337 = tpu.vector_load %arg10[%get3A_336] {strides = array<i32>} : memref<640xf32, #tpu.memory_space<vmem>>, vector<16xf32>,
    %get3A_338 = vector.shape_cast %get3A_337 : vector<16xf32> to vector<16xf32>
    %get3A_339 = arith.constant 80 : index
    %get3A_340 = tpu.vector_load %arg10[%get3A_339] {strides = array<i32>} : memref<640xf32, #tpu.memory_space<vmem>>, vector<16xf32>,
    %get3A_341 = vector.shape_cast %get3A_340 : vector<16xf32> to vector<16xf32>
    %get3A_342 = arith.constant 96 : index
    %get3A_343 = tpu.vector_load %arg10[%get3A_342] {strides = array<i32>} : memref<640xf32, #tpu.memory_space<vmem>>, vector<16xf32>,
    %get3A_344 = vector.shape_cast %get3A_343 : vector<16xf32> to vector<16xf32>
    %get3A_345 = arith.constant 112 : index
    %get3A_346 = tpu.vector_load %arg10[%get3A_345] {strides = array<i32>} : memref<640xf32, #tpu.memory_space<vmem>>, vector<16xf32>,
    %get3A_347 = vector.shape_cast %get3A_346 : vector<16xf32> to vector<16xf32>
    %get3A_348 = arith.constant 128 : index
    %get3A_349 = tpu.vector_load %arg10[%get3A_348] {strides = array<i32>} : memref<640xf32, #tpu.memory_space<vmem>>, vector<16xf32>,
    %get3A_350 = vector.shape_cast %get3A_349 : vector<16xf32> to vector<16xf32>
    %get3A_351 = arith.constant 144 : index
    %get3A_352 = tpu.vector_load %arg10[%get3A_351] {strides = array<i32>} : memref<640xf32, #tpu.memory_space<vmem>>, vector<16xf32>,
    %get3A_353 = vector.shape_cast %get3A_352 : vector<16xf32> to vector<16xf32>
    %get3A_354 = arith.constant 160 : index
    %get3A_355 = tpu.vector_load %arg10[%get3A_354] {strides = array<i32>} : memref<640xf32, #tpu.memory_space<vmem>>, vector<16xf32>,
    %get3A_356 = vector.shape_cast %get3A_355 : vector<16xf32> to vector<16xf32>
    %get3A_357 = arith.constant 176 : index
    %get3A_358 = tpu.vector_load %arg10[%get3A_357] {strides = array<i32>} : memref<640xf32, #tpu.memory_space<vmem>>, vector<16xf32>,
    %get3A_359 = vector.shape_cast %get3A_358 : vector<16xf32> to vector<16xf32>
    %get3A_360 = arith.constant 192 : index
    %get3A_361 = tpu.vector_load %arg10[%get3A_360] {strides = array<i32>} : memref<640xf32, #tpu.memory_space<vmem>>, vector<16xf32>,
    %get3A_362 = vector.shape_cast %get3A_361 : vector<16xf32> to vector<16xf32>
    %get3A_363 = arith.constant 208 : index
    %get3A_364 = tpu.vector_load %arg10[%get3A_363] {strides = array<i32>} : memref<640xf32, #tpu.memory_space<vmem>>, vector<16xf32>,
    %get3A_365 = vector.shape_cast %get3A_364 : vector<16xf32> to vector<16xf32>
    %get3A_366 = arith.constant 224 : index
    %get3A_367 = tpu.vector_load %arg10[%get3A_366] {strides = array<i32>} : memref<640xf32, #tpu.memory_space<vmem>>, vector<16xf32>,
    %get3A_368 = vector.shape_cast %get3A_367 : vector<16xf32> to vector<16xf32>
    %get3A_369 = arith.constant 240 : index
    %get3A_370 = tpu.vector_load %arg10[%get3A_369] {strides = array<i32>} : memref<640xf32, #tpu.memory_space<vmem>>, vector<16xf32>,
    %get3A_371 = vector.shape_cast %get3A_370 : vector<16xf32> to vector<16xf32>
    %get3A_372 = arith.constant 256 : index
    %get3A_373 = tpu.vector_load %arg10[%get3A_372] {strides = array<i32>} : memref<640xf32, #tpu.memory_space<vmem>>, vector<16xf32>,
    %get3A_374 = vector.shape_cast %get3A_373 : vector<16xf32> to vector<16xf32>
    %get3A_375 = arith.constant 272 : index
    %get3A_376 = tpu.vector_load %arg10[%get3A_375] {strides = array<i32>} : memref<640xf32, #tpu.memory_space<vmem>>, vector<16xf32>,
    %get3A_377 = vector.shape_cast %get3A_376 : vector<16xf32> to vector<16xf32>
    %get3A_378 = arith.constant 288 : index
    %get3A_379 = tpu.vector_load %arg10[%get3A_378] {strides = array<i32>} : memref<640xf32, #tpu.memory_space<vmem>>, vector<16xf32>,
    %get3A_380 = vector.shape_cast %get3A_379 : vector<16xf32> to vector<16xf32>
    %get3A_381 = arith.constant 304 : index
    %get3A_382 = tpu.vector_load %arg10[%get3A_381] {strides = array<i32>} : memref<640xf32, #tpu.memory_space<vmem>>, vector<16xf32>,
    %get3A_383 = vector.shape_cast %get3A_382 : vector<16xf32> to vector<16xf32>
    %scan3A = arith.constant 0 : i32
    %scan3A_384 = arith.constant 128 : i32
    %scan3A_385 = arith.addi %scan3A, %scan3A_384 : i32
    %scan3A_386 = arith.constant 1 : i32
    scf.for %scan3A_785 = %scan3A to %scan3A_385 step %scan3A_386  : i32 {
      %mul3A_786 = arith.constant 20 : i32
      %mul3A_787 = arith.muli %scan3A_785, %mul3A_786 : i32
      %get3A_788 = arith.index_cast %mul3A_787 : i32 to index
      %get3A_789 = arith.constant 0 : index
      %get3A_790 = tpu.vector_load %arg8[%get3A_788, %get3A_789] {strides = array<i32>} : memref<2560x32xf32, #tpu.memory_space<vmem>>, vector<1x16xf32>,
      %get3A_791 = vector.shape_cast %get3A_790 : vector<1x16xf32> to vector<16xf32>
      %mul3A_792 = arith.mulf %get3A_326, %get3A_791 : vector<16xf32>
      %get3A_793 = arith.index_cast %mul3A_787 : i32 to index
      %get3A_794 = arith.constant 16 : index
      %get3A_795 = tpu.vector_load %arg8[%get3A_793, %get3A_794] {strides = array<i32>} : memref<2560x32xf32, #tpu.memory_space<vmem>>, vector<1x16xf32>,
      %get3A_796 = vector.shape_cast %get3A_795 : vector<1x16xf32> to vector<16xf32>
      %mul3A_797 = arith.mulf %get3A_326, %get3A_796 : vector<16xf32>
      %add3A_798 = arith.constant 1 : i32
      %add3A_799 = arith.addi %mul3A_787, %add3A_798 : i32
      %get3A_800 = arith.index_cast %add3A_799 : i32 to index
      %get3A_801 = arith.constant 0 : index
      %get3A_802 = tpu.vector_load %arg8[%get3A_800, %get3A_801] {strides = array<i32>} : memref<2560x32xf32, #tpu.memory_space<vmem>>, vector<1x16xf32>,
      %get3A_803 = vector.shape_cast %get3A_802 : vector<1x16xf32> to vector<16xf32>
      %mul3A_804 = arith.mulf %get3A_329, %get3A_803 : vector<16xf32>
      %add3A_805 = arith.constant 1 : i32
      %add3A_806 = arith.addi %mul3A_787, %add3A_805 : i32
      %get3A_807 = arith.index_cast %add3A_806 : i32 to index
      %get3A_808 = arith.constant 16 : index
      %get3A_809 = tpu.vector_load %arg8[%get3A_807, %get3A_808] {strides = array<i32>} : memref<2560x32xf32, #tpu.memory_space<vmem>>, vector<1x16xf32>,
      %get3A_810 = vector.shape_cast %get3A_809 : vector<1x16xf32> to vector<16xf32>
      %mul3A_811 = arith.mulf %get3A_329, %get3A_810 : vector<16xf32>
      %add3A_812 = arith.constant 2 : i32
      %add3A_813 = arith.addi %mul3A_787, %add3A_812 : i32
      %get3A_814 = arith.index_cast %add3A_813 : i32 to index
      %get3A_815 = arith.constant 0 : index
      %get3A_816 = tpu.vector_load %arg8[%get3A_814, %get3A_815] {strides = array<i32>} : memref<2560x32xf32, #tpu.memory_space<vmem>>, vector<1x16xf32>,
      %get3A_817 = vector.shape_cast %get3A_816 : vector<1x16xf32> to vector<16xf32>
      %mul3A_818 = arith.mulf %get3A_332, %get3A_817 : vector<16xf32>
      %add3A_819 = arith.addf %mul3A_792, %mul3A_818 : vector<16xf32>
      %add3A_820 = arith.constant 2 : i32
      %add3A_821 = arith.addi %mul3A_787, %add3A_820 : i32
      %get3A_822 = arith.index_cast %add3A_821 : i32 to index
      %get3A_823 = arith.constant 16 : index
      %get3A_824 = tpu.vector_load %arg8[%get3A_822, %get3A_823] {strides = array<i32>} : memref<2560x32xf32, #tpu.memory_space<vmem>>, vector<1x16xf32>,
      %get3A_825 = vector.shape_cast %get3A_824 : vector<1x16xf32> to vector<16xf32>
      %mul3A_826 = arith.mulf %get3A_332, %get3A_825 : vector<16xf32>
      %add3A_827 = arith.addf %mul3A_797, %mul3A_826 : vector<16xf32>
      %add3A_828 = arith.constant 2 : i32
      %add3A_829 = arith.addi %mul3A_787, %add3A_828 : i32
      %add3A_830 = arith.constant 1 : i32
      %add3A_831 = arith.addi %add3A_829, %add3A_830 : i32
      %get3A_832 = arith.index_cast %add3A_831 : i32 to index
      %get3A_833 = arith.constant 0 : index
      %get3A_834 = tpu.vector_load %arg8[%get3A_832, %get3A_833] {strides = array<i32>} : memref<2560x32xf32, #tpu.memory_space<vmem>>, vector<1x16xf32>,
      %get3A_835 = vector.shape_cast %get3A_834 : vector<1x16xf32> to vector<16xf32>
      %mul3A_836 = arith.mulf %get3A_335, %get3A_835 : vector<16xf32>
      %add3A_837 = arith.addf %mul3A_804, %mul3A_836 : vector<16xf32>
      %add3A_838 = arith.constant 2 : i32
      %add3A_839 = arith.addi %mul3A_787, %add3A_838 : i32
      %add3A_840 = arith.constant 1 : i32
      %add3A_841 = arith.addi %add3A_839, %add3A_840 : i32
      %get3A_842 = arith.index_cast %add3A_841 : i32 to index
      %get3A_843 = arith.constant 16 : index
      %get3A_844 = tpu.vector_load %arg8[%get3A_842, %get3A_843] {strides = array<i32>} : memref<2560x32xf32, #tpu.memory_space<vmem>>, vector<1x16xf32>,
      %get3A_845 = vector.shape_cast %get3A_844 : vector<1x16xf32> to vector<16xf32>
      %mul3A_846 = arith.mulf %get3A_335, %get3A_845 : vector<16xf32>
      %add3A_847 = arith.addf %mul3A_811, %mul3A_846 : vector<16xf32>
      %add3A_848 = arith.constant 4 : i32
      %add3A_849 = arith.addi %mul3A_787, %add3A_848 : i32
      %get3A_850 = arith.index_cast %add3A_849 : i32 to index
      %get3A_851 = arith.constant 0 : index
      %get3A_852 = tpu.vector_load %arg8[%get3A_850, %get3A_851] {strides = array<i32>} : memref<2560x32xf32, #tpu.memory_space<vmem>>, vector<1x16xf32>,
      %get3A_853 = vector.shape_cast %get3A_852 : vector<1x16xf32> to vector<16xf32>
      %mul3A_854 = arith.mulf %get3A_338, %get3A_853 : vector<16xf32>
      %add3A_855 = arith.addf %add3A_819, %mul3A_854 : vector<16xf32>
      %add3A_856 = arith.constant 4 : i32
      %add3A_857 = arith.addi %mul3A_787, %add3A_856 : i32
      %get3A_858 = arith.index_cast %add3A_857 : i32 to index
      %get3A_859 = arith.constant 16 : index
      %get3A_860 = tpu.vector_load %arg8[%get3A_858, %get3A_859] {strides = array<i32>} : memref<2560x32xf32, #tpu.memory_space<vmem>>, vector<1x16xf32>,
      %get3A_861 = vector.shape_cast %get3A_860 : vector<1x16xf32> to vector<16xf32>
      %mul3A_862 = arith.mulf %get3A_338, %get3A_861 : vector<16xf32>
      %add3A_863 = arith.addf %add3A_827, %mul3A_862 : vector<16xf32>
      %add3A_864 = arith.constant 4 : i32
      %add3A_865 = arith.addi %mul3A_787, %add3A_864 : i32
      %add3A_866 = arith.constant 1 : i32
      %add3A_867 = arith.addi %add3A_865, %add3A_866 : i32
      %get3A_868 = arith.index_cast %add3A_867 : i32 to index
      %get3A_869 = arith.constant 0 : index
      %get3A_870 = tpu.vector_load %arg8[%get3A_868, %get3A_869] {strides = array<i32>} : memref<2560x32xf32, #tpu.memory_space<vmem>>, vector<1x16xf32>,
      %get3A_871 = vector.shape_cast %get3A_870 : vector<1x16xf32> to vector<16xf32>
      %mul3A_872 = arith.mulf %get3A_341, %get3A_871 : vector<16xf32>
      %add3A_873 = arith.addf %add3A_837, %mul3A_872 : vector<16xf32>
      %add3A_874 = arith.constant 4 : i32
      %add3A_875 = arith.addi %mul3A_787, %add3A_874 : i32
      %add3A_876 = arith.constant 1 : i32
      %add3A_877 = arith.addi %add3A_875, %add3A_876 : i32
      %get3A_878 = arith.index_cast %add3A_877 : i32 to index
      %get3A_879 = arith.constant 16 : index
      %get3A_880 = tpu.vector_load %arg8[%get3A_878, %get3A_879] {strides = array<i32>} : memref<2560x32xf32, #tpu.memory_space<vmem>>, vector<1x16xf32>,
      %get3A_881 = vector.shape_cast %get3A_880 : vector<1x16xf32> to vector<16xf32>
      %mul3A_882 = arith.mulf %get3A_341, %get3A_881 : vector<16xf32>
      %add3A_883 = arith.addf %add3A_847, %mul3A_882 : vector<16xf32>
      %add3A_884 = arith.constant 6 : i32
      %add3A_885 = arith.addi %mul3A_787, %add3A_884 : i32
      %get3A_886 = arith.index_cast %add3A_885 : i32 to index
      %get3A_887 = arith.constant 0 : index
      %get3A_888 = tpu.vector_load %arg8[%get3A_886, %get3A_887] {strides = array<i32>} : memref<2560x32xf32, #tpu.memory_space<vmem>>, vector<1x16xf32>,
      %get3A_889 = vector.shape_cast %get3A_888 : vector<1x16xf32> to vector<16xf32>
      %mul3A_890 = arith.mulf %get3A_344, %get3A_889 : vector<16xf32>
      %add3A_891 = arith.addf %add3A_855, %mul3A_890 : vector<16xf32>
      %add3A_892 = arith.constant 6 : i32
      %add3A_893 = arith.addi %mul3A_787, %add3A_892 : i32
      %get3A_894 = arith.index_cast %add3A_893 : i32 to index
      %get3A_895 = arith.constant 16 : index
      %get3A_896 = tpu.vector_load %arg8[%get3A_894, %get3A_895] {strides = array<i32>} : memref<2560x32xf32, #tpu.memory_space<vmem>>, vector<1x16xf32>,
      %get3A_897 = vector.shape_cast %get3A_896 : vector<1x16xf32> to vector<16xf32>
      %mul3A_898 = arith.mulf %get3A_344, %get3A_897 : vector<16xf32>
      %add3A_899 = arith.addf %add3A_863, %mul3A_898 : vector<16xf32>
      %add3A_900 = arith.constant 6 : i32
      %add3A_901 = arith.addi %mul3A_787, %add3A_900 : i32
      %add3A_902 = arith.constant 1 : i32
      %add3A_903 = arith.addi %add3A_901, %add3A_902 : i32
      %get3A_904 = arith.index_cast %add3A_903 : i32 to index
      %get3A_905 = arith.constant 0 : index
      %get3A_906 = tpu.vector_load %arg8[%get3A_904, %get3A_905] {strides = array<i32>} : memref<2560x32xf32, #tpu.memory_space<vmem>>, vector<1x16xf32>,
      %get3A_907 = vector.shape_cast %get3A_906 : vector<1x16xf32> to vector<16xf32>
      %mul3A_908 = arith.mulf %get3A_347, %get3A_907 : vector<16xf32>
      %add3A_909 = arith.addf %add3A_873, %mul3A_908 : vector<16xf32>
      %add3A_910 = arith.constant 6 : i32
      %add3A_911 = arith.addi %mul3A_787, %add3A_910 : i32
      %add3A_912 = arith.constant 1 : i32
      %add3A_913 = arith.addi %add3A_911, %add3A_912 : i32
      %get3A_914 = arith.index_cast %add3A_913 : i32 to index
      %get3A_915 = arith.constant 16 : index
      %get3A_916 = tpu.vector_load %arg8[%get3A_914, %get3A_915] {strides = array<i32>} : memref<2560x32xf32, #tpu.memory_space<vmem>>, vector<1x16xf32>,
      %get3A_917 = vector.shape_cast %get3A_916 : vector<1x16xf32> to vector<16xf32>
      %mul3A_918 = arith.mulf %get3A_347, %get3A_917 : vector<16xf32>
      %add3A_919 = arith.addf %add3A_883, %mul3A_918 : vector<16xf32>
      %add3A_920 = arith.constant 8 : i32
      %add3A_921 = arith.addi %mul3A_787, %add3A_920 : i32
      %get3A_922 = arith.index_cast %add3A_921 : i32 to index
      %get3A_923 = arith.constant 0 : index
      %get3A_924 = tpu.vector_load %arg8[%get3A_922, %get3A_923] {strides = array<i32>} : memref<2560x32xf32, #tpu.memory_space<vmem>>, vector<1x16xf32>,
      %get3A_925 = vector.shape_cast %get3A_924 : vector<1x16xf32> to vector<16xf32>
      %mul3A_926 = arith.mulf %get3A_350, %get3A_925 : vector<16xf32>
      %add3A_927 = arith.addf %add3A_891, %mul3A_926 : vector<16xf32>
      %add3A_928 = arith.constant 8 : i32
      %add3A_929 = arith.addi %mul3A_787, %add3A_928 : i32
      %get3A_930 = arith.index_cast %add3A_929 : i32 to index
      %get3A_931 = arith.constant 16 : index
      %get3A_932 = tpu.vector_load %arg8[%get3A_930, %get3A_931] {strides = array<i32>} : memref<2560x32xf32, #tpu.memory_space<vmem>>, vector<1x16xf32>,
      %get3A_933 = vector.shape_cast %get3A_932 : vector<1x16xf32> to vector<16xf32>
      %mul3A_934 = arith.mulf %get3A_350, %get3A_933 : vector<16xf32>
      %add3A_935 = arith.addf %add3A_899, %mul3A_934 : vector<16xf32>
      %add3A_936 = arith.constant 8 : i32
      %add3A_937 = arith.addi %mul3A_787, %add3A_936 : i32
      %add3A_938 = arith.constant 1 : i32
      %add3A_939 = arith.addi %add3A_937, %add3A_938 : i32
      %get3A_940 = arith.index_cast %add3A_939 : i32 to index
      %get3A_941 = arith.constant 0 : index
      %get3A_942 = tpu.vector_load %arg8[%get3A_940, %get3A_941] {strides = array<i32>} : memref<2560x32xf32, #tpu.memory_space<vmem>>, vector<1x16xf32>,
      %get3A_943 = vector.shape_cast %get3A_942 : vector<1x16xf32> to vector<16xf32>
      %mul3A_944 = arith.mulf %get3A_353, %get3A_943 : vector<16xf32>
      %add3A_945 = arith.addf %add3A_909, %mul3A_944 : vector<16xf32>
      %add3A_946 = arith.constant 8 : i32
      %add3A_947 = arith.addi %mul3A_787, %add3A_946 : i32
      %add3A_948 = arith.constant 1 : i32
      %add3A_949 = arith.addi %add3A_947, %add3A_948 : i32
      %get3A_950 = arith.index_cast %add3A_949 : i32 to index
      %get3A_951 = arith.constant 16 : index
      %get3A_952 = tpu.vector_load %arg8[%get3A_950, %get3A_951] {strides = array<i32>} : memref<2560x32xf32, #tpu.memory_space<vmem>>, vector<1x16xf32>,
      %get3A_953 = vector.shape_cast %get3A_952 : vector<1x16xf32> to vector<16xf32>
      %mul3A_954 = arith.mulf %get3A_353, %get3A_953 : vector<16xf32>
      %add3A_955 = arith.addf %add3A_919, %mul3A_954 : vector<16xf32>
      %add3A_956 = arith.constant 10 : i32
      %add3A_957 = arith.addi %mul3A_787, %add3A_956 : i32
      %get3A_958 = arith.index_cast %add3A_957 : i32 to index
      %get3A_959 = arith.constant 0 : index
      %get3A_960 = tpu.vector_load %arg8[%get3A_958, %get3A_959] {strides = array<i32>} : memref<2560x32xf32, #tpu.memory_space<vmem>>, vector<1x16xf32>,
      %get3A_961 = vector.shape_cast %get3A_960 : vector<1x16xf32> to vector<16xf32>
      %mul3A_962 = arith.mulf %get3A_356, %get3A_961 : vector<16xf32>
      %add3A_963 = arith.addf %add3A_927, %mul3A_962 : vector<16xf32>
      %add3A_964 = arith.constant 10 : i32
      %add3A_965 = arith.addi %mul3A_787, %add3A_964 : i32
      %get3A_966 = arith.index_cast %add3A_965 : i32 to index
      %get3A_967 = arith.constant 16 : index
      %get3A_968 = tpu.vector_load %arg8[%get3A_966, %get3A_967] {strides = array<i32>} : memref<2560x32xf32, #tpu.memory_space<vmem>>, vector<1x16xf32>,
      %get3A_969 = vector.shape_cast %get3A_968 : vector<1x16xf32> to vector<16xf32>
      %mul3A_970 = arith.mulf %get3A_356, %get3A_969 : vector<16xf32>
      %add3A_971 = arith.addf %add3A_935, %mul3A_970 : vector<16xf32>
      %add3A_972 = arith.constant 10 : i32
      %add3A_973 = arith.addi %mul3A_787, %add3A_972 : i32
      %add3A_974 = arith.constant 1 : i32
      %add3A_975 = arith.addi %add3A_973, %add3A_974 : i32
      %get3A_976 = arith.index_cast %add3A_975 : i32 to index
      %get3A_977 = arith.constant 0 : index
      %get3A_978 = tpu.vector_load %arg8[%get3A_976, %get3A_977] {strides = array<i32>} : memref<2560x32xf32, #tpu.memory_space<vmem>>, vector<1x16xf32>,
      %get3A_979 = vector.shape_cast %get3A_978 : vector<1x16xf32> to vector<16xf32>
      %mul3A_980 = arith.mulf %get3A_359, %get3A_979 : vector<16xf32>
      %add3A_981 = arith.addf %add3A_945, %mul3A_980 : vector<16xf32>
      %add3A_982 = arith.constant 10 : i32
      %add3A_983 = arith.addi %mul3A_787, %add3A_982 : i32
      %add3A_984 = arith.constant 1 : i32
      %add3A_985 = arith.addi %add3A_983, %add3A_984 : i32
      %get3A_986 = arith.index_cast %add3A_985 : i32 to index
      %get3A_987 = arith.constant 16 : index
      %get3A_988 = tpu.vector_load %arg8[%get3A_986, %get3A_987] {strides = array<i32>} : memref<2560x32xf32, #tpu.memory_space<vmem>>, vector<1x16xf32>,
      %get3A_989 = vector.shape_cast %get3A_988 : vector<1x16xf32> to vector<16xf32>
      %mul3A_990 = arith.mulf %get3A_359, %get3A_989 : vector<16xf32>
      %add3A_991 = arith.addf %add3A_955, %mul3A_990 : vector<16xf32>
      %add3A_992 = arith.constant 12 : i32
      %add3A_993 = arith.addi %mul3A_787, %add3A_992 : i32
      %get3A_994 = arith.index_cast %add3A_993 : i32 to index
      %get3A_995 = arith.constant 0 : index
      %get3A_996 = tpu.vector_load %arg8[%get3A_994, %get3A_995] {strides = array<i32>} : memref<2560x32xf32, #tpu.memory_space<vmem>>, vector<1x16xf32>,
      %get3A_997 = vector.shape_cast %get3A_996 : vector<1x16xf32> to vector<16xf32>
      %mul3A_998 = arith.mulf %get3A_362, %get3A_997 : vector<16xf32>
      %add3A_999 = arith.addf %add3A_963, %mul3A_998 : vector<16xf32>
      %add3A_1000 = arith.constant 12 : i32
      %add3A_1001 = arith.addi %mul3A_787, %add3A_1000 : i32
      %get3A_1002 = arith.index_cast %add3A_1001 : i32 to index
      %get3A_1003 = arith.constant 16 : index
      %get3A_1004 = tpu.vector_load %arg8[%get3A_1002, %get3A_1003] {strides = array<i32>} : memref<2560x32xf32, #tpu.memory_space<vmem>>, vector<1x16xf32>,
      %get3A_1005 = vector.shape_cast %get3A_1004 : vector<1x16xf32> to vector<16xf32>
      %mul3A_1006 = arith.mulf %get3A_362, %get3A_1005 : vector<16xf32>
      %add3A_1007 = arith.addf %add3A_971, %mul3A_1006 : vector<16xf32>
      %add3A_1008 = arith.constant 12 : i32
      %add3A_1009 = arith.addi %mul3A_787, %add3A_1008 : i32
      %add3A_1010 = arith.constant 1 : i32
      %add3A_1011 = arith.addi %add3A_1009, %add3A_1010 : i32
      %get3A_1012 = arith.index_cast %add3A_1011 : i32 to index
      %get3A_1013 = arith.constant 0 : index
      %get3A_1014 = tpu.vector_load %arg8[%get3A_1012, %get3A_1013] {strides = array<i32>} : memref<2560x32xf32, #tpu.memory_space<vmem>>, vector<1x16xf32>,
      %get3A_1015 = vector.shape_cast %get3A_1014 : vector<1x16xf32> to vector<16xf32>
      %mul3A_1016 = arith.mulf %get3A_365, %get3A_1015 : vector<16xf32>
      %add3A_1017 = arith.addf %add3A_981, %mul3A_1016 : vector<16xf32>
      %add3A_1018 = arith.constant 12 : i32
      %add3A_1019 = arith.addi %mul3A_787, %add3A_1018 : i32
      %add3A_1020 = arith.constant 1 : i32
      %add3A_1021 = arith.addi %add3A_1019, %add3A_1020 : i32
      %get3A_1022 = arith.index_cast %add3A_1021 : i32 to index
      %get3A_1023 = arith.constant 16 : index
      %get3A_1024 = tpu.vector_load %arg8[%get3A_1022, %get3A_1023] {strides = array<i32>} : memref<2560x32xf32, #tpu.memory_space<vmem>>, vector<1x16xf32>,
      %get3A_1025 = vector.shape_cast %get3A_1024 : vector<1x16xf32> to vector<16xf32>
      %mul3A_1026 = arith.mulf %get3A_365, %get3A_1025 : vector<16xf32>
      %add3A_1027 = arith.addf %add3A_991, %mul3A_1026 : vector<16xf32>
      %add3A_1028 = arith.constant 14 : i32
      %add3A_1029 = arith.addi %mul3A_787, %add3A_1028 : i32
      %get3A_1030 = arith.index_cast %add3A_1029 : i32 to index
      %get3A_1031 = arith.constant 0 : index
      %get3A_1032 = tpu.vector_load %arg8[%get3A_1030, %get3A_1031] {strides = array<i32>} : memref<2560x32xf32, #tpu.memory_space<vmem>>, vector<1x16xf32>,
      %get3A_1033 = vector.shape_cast %get3A_1032 : vector<1x16xf32> to vector<16xf32>
      %mul3A_1034 = arith.mulf %get3A_368, %get3A_1033 : vector<16xf32>
      %add3A_1035 = arith.addf %add3A_999, %mul3A_1034 : vector<16xf32>
      %add3A_1036 = arith.constant 14 : i32
      %add3A_1037 = arith.addi %mul3A_787, %add3A_1036 : i32
      %get3A_1038 = arith.index_cast %add3A_1037 : i32 to index
      %get3A_1039 = arith.constant 16 : index
      %get3A_1040 = tpu.vector_load %arg8[%get3A_1038, %get3A_1039] {strides = array<i32>} : memref<2560x32xf32, #tpu.memory_space<vmem>>, vector<1x16xf32>,
      %get3A_1041 = vector.shape_cast %get3A_1040 : vector<1x16xf32> to vector<16xf32>
      %mul3A_1042 = arith.mulf %get3A_368, %get3A_1041 : vector<16xf32>
      %add3A_1043 = arith.addf %add3A_1007, %mul3A_1042 : vector<16xf32>
      %add3A_1044 = arith.constant 14 : i32
      %add3A_1045 = arith.addi %mul3A_787, %add3A_1044 : i32
      %add3A_1046 = arith.constant 1 : i32
      %add3A_1047 = arith.addi %add3A_1045, %add3A_1046 : i32
      %get3A_1048 = arith.index_cast %add3A_1047 : i32 to index
      %get3A_1049 = arith.constant 0 : index
      %get3A_1050 = tpu.vector_load %arg8[%get3A_1048, %get3A_1049] {strides = array<i32>} : memref<2560x32xf32, #tpu.memory_space<vmem>>, vector<1x16xf32>,
      %get3A_1051 = vector.shape_cast %get3A_1050 : vector<1x16xf32> to vector<16xf32>
      %mul3A_1052 = arith.mulf %get3A_371, %get3A_1051 : vector<16xf32>
      %add3A_1053 = arith.addf %add3A_1017, %mul3A_1052 : vector<16xf32>
      %add3A_1054 = arith.constant 14 : i32
      %add3A_1055 = arith.addi %mul3A_787, %add3A_1054 : i32
      %add3A_1056 = arith.constant 1 : i32
      %add3A_1057 = arith.addi %add3A_1055, %add3A_1056 : i32
      %get3A_1058 = arith.index_cast %add3A_1057 : i32 to index
      %get3A_1059 = arith.constant 16 : index
      %get3A_1060 = tpu.vector_load %arg8[%get3A_1058, %get3A_1059] {strides = array<i32>} : memref<2560x32xf32, #tpu.memory_space<vmem>>, vector<1x16xf32>,
      %get3A_1061 = vector.shape_cast %get3A_1060 : vector<1x16xf32> to vector<16xf32>
      %mul3A_1062 = arith.mulf %get3A_371, %get3A_1061 : vector<16xf32>
      %add3A_1063 = arith.addf %add3A_1027, %mul3A_1062 : vector<16xf32>
      %add3A_1064 = arith.constant 16 : i32
      %add3A_1065 = arith.addi %mul3A_787, %add3A_1064 : i32
      %get3A_1066 = arith.index_cast %add3A_1065 : i32 to index
      %get3A_1067 = arith.constant 0 : index
      %get3A_1068 = tpu.vector_load %arg8[%get3A_1066, %get3A_1067] {strides = array<i32>} : memref<2560x32xf32, #tpu.memory_space<vmem>>, vector<1x16xf32>,
      %get3A_1069 = vector.shape_cast %get3A_1068 : vector<1x16xf32> to vector<16xf32>
      %mul3A_1070 = arith.mulf %get3A_374, %get3A_1069 : vector<16xf32>
      %add3A_1071 = arith.addf %add3A_1035, %mul3A_1070 : vector<16xf32>
      %add3A_1072 = arith.constant 16 : i32
      %add3A_1073 = arith.addi %mul3A_787, %add3A_1072 : i32
      %get3A_1074 = arith.index_cast %add3A_1073 : i32 to index
      %get3A_1075 = arith.constant 16 : index
      %get3A_1076 = tpu.vector_load %arg8[%get3A_1074, %get3A_1075] {strides = array<i32>} : memref<2560x32xf32, #tpu.memory_space<vmem>>, vector<1x16xf32>,
      %get3A_1077 = vector.shape_cast %get3A_1076 : vector<1x16xf32> to vector<16xf32>
      %mul3A_1078 = arith.mulf %get3A_374, %get3A_1077 : vector<16xf32>
      %add3A_1079 = arith.addf %add3A_1043, %mul3A_1078 : vector<16xf32>
      %add3A_1080 = arith.constant 16 : i32
      %add3A_1081 = arith.addi %mul3A_787, %add3A_1080 : i32
      %add3A_1082 = arith.constant 1 : i32
      %add3A_1083 = arith.addi %add3A_1081, %add3A_1082 : i32
      %get3A_1084 = arith.index_cast %add3A_1083 : i32 to index
      %get3A_1085 = arith.constant 0 : index
      %get3A_1086 = tpu.vector_load %arg8[%get3A_1084, %get3A_1085] {strides = array<i32>} : memref<2560x32xf32, #tpu.memory_space<vmem>>, vector<1x16xf32>,
      %get3A_1087 = vector.shape_cast %get3A_1086 : vector<1x16xf32> to vector<16xf32>
      %mul3A_1088 = arith.mulf %get3A_377, %get3A_1087 : vector<16xf32>
      %add3A_1089 = arith.addf %add3A_1053, %mul3A_1088 : vector<16xf32>
      %add3A_1090 = arith.constant 16 : i32
      %add3A_1091 = arith.addi %mul3A_787, %add3A_1090 : i32
      %add3A_1092 = arith.constant 1 : i32
      %add3A_1093 = arith.addi %add3A_1091, %add3A_1092 : i32
      %get3A_1094 = arith.index_cast %add3A_1093 : i32 to index
      %get3A_1095 = arith.constant 16 : index
      %get3A_1096 = tpu.vector_load %arg8[%get3A_1094, %get3A_1095] {strides = array<i32>} : memref<2560x32xf32, #tpu.memory_space<vmem>>, vector<1x16xf32>,
      %get3A_1097 = vector.shape_cast %get3A_1096 : vector<1x16xf32> to vector<16xf32>
      %mul3A_1098 = arith.mulf %get3A_377, %get3A_1097 : vector<16xf32>
      %add3A_1099 = arith.addf %add3A_1063, %mul3A_1098 : vector<16xf32>
      %add3A_1100 = arith.constant 18 : i32
      %add3A_1101 = arith.addi %mul3A_787, %add3A_1100 : i32
      %get3A_1102 = arith.index_cast %add3A_1101 : i32 to index
      %get3A_1103 = arith.constant 0 : index
      %get3A_1104 = tpu.vector_load %arg8[%get3A_1102, %get3A_1103] {strides = array<i32>} : memref<2560x32xf32, #tpu.memory_space<vmem>>, vector<1x16xf32>,
      %get3A_1105 = vector.shape_cast %get3A_1104 : vector<1x16xf32> to vector<16xf32>
      %mul3A_1106 = arith.mulf %get3A_380, %get3A_1105 : vector<16xf32>
      %add3A_1107 = arith.addf %add3A_1071, %mul3A_1106 : vector<16xf32>
      %add3A_1108 = arith.constant 18 : i32
      %add3A_1109 = arith.addi %mul3A_787, %add3A_1108 : i32
      %get3A_1110 = arith.index_cast %add3A_1109 : i32 to index
      %get3A_1111 = arith.constant 16 : index
      %get3A_1112 = tpu.vector_load %arg8[%get3A_1110, %get3A_1111] {strides = array<i32>} : memref<2560x32xf32, #tpu.memory_space<vmem>>, vector<1x16xf32>,
      %get3A_1113 = vector.shape_cast %get3A_1112 : vector<1x16xf32> to vector<16xf32>
      %mul3A_1114 = arith.mulf %get3A_380, %get3A_1113 : vector<16xf32>
      %add3A_1115 = arith.addf %add3A_1079, %mul3A_1114 : vector<16xf32>
      %add3A_1116 = arith.constant 18 : i32
      %add3A_1117 = arith.addi %mul3A_787, %add3A_1116 : i32
      %add3A_1118 = arith.constant 1 : i32
      %add3A_1119 = arith.addi %add3A_1117, %add3A_1118 : i32
      %get3A_1120 = arith.index_cast %add3A_1119 : i32 to index
      %get3A_1121 = arith.constant 0 : index
      %get3A_1122 = tpu.vector_load %arg8[%get3A_1120, %get3A_1121] {strides = array<i32>} : memref<2560x32xf32, #tpu.memory_space<vmem>>, vector<1x16xf32>,
      %get3A_1123 = vector.shape_cast %get3A_1122 : vector<1x16xf32> to vector<16xf32>
      %mul3A_1124 = arith.mulf %get3A_383, %get3A_1123 : vector<16xf32>
      %add3A_1125 = arith.addf %add3A_1089, %mul3A_1124 : vector<16xf32>
      %add3A_1126 = arith.constant 18 : i32
      %add3A_1127 = arith.addi %mul3A_787, %add3A_1126 : i32
      %add3A_1128 = arith.constant 1 : i32
      %add3A_1129 = arith.addi %add3A_1127, %add3A_1128 : i32
      %get3A_1130 = arith.index_cast %add3A_1129 : i32 to index
      %get3A_1131 = arith.constant 16 : index
      %get3A_1132 = tpu.vector_load %arg8[%get3A_1130, %get3A_1131] {strides = array<i32>} : memref<2560x32xf32, #tpu.memory_space<vmem>>, vector<1x16xf32>,
      %get3A_1133 = vector.shape_cast %get3A_1132 : vector<1x16xf32> to vector<16xf32>
      %mul3A_1134 = arith.mulf %get3A_383, %get3A_1133 : vector<16xf32>
      %add3A_1135 = arith.addf %add3A_1099, %mul3A_1134 : vector<16xf32>
      %mul3A_1136 = arith.constant 32 : i32
      %mul3A_1137 = arith.muli %scan3A_785, %mul3A_1136 : i32
      %multiple_of3A = tpu.assume_multiple %mul3A_1137, 32 : i32
      %add3A_1138 = arith.addf %add3A_1107, %add3A_1125 : vector<16xf32>
      %swap3A = arith.index_cast %multiple_of3A : i32 to index
      %swap3A_1139 = tpu.vector_load %arg9[%swap3A] {strides = array<i32>} : memref<4096xf32, #tpu.memory_space<vmem>>, vector<16xf32>,
      %swap3A_1140 = vector.shape_cast %swap3A_1139 : vector<16xf32> to vector<16xf32>
      %swap3A_1141 = vector.shape_cast %add3A_1138 : vector<16xf32> to vector<16xf32>
      tpu.vector_store %arg9[%swap3A], %swap3A_1141 {strides = array<i32>} : memref<4096xf32, #tpu.memory_space<vmem>>, vector<16xf32>,
      %add3A_1142 = arith.addf %add3A_1115, %add3A_1135 : vector<16xf32>
      %add3A_1143 = arith.constant 16 : i32
      %add3A_1144 = arith.addi %multiple_of3A, %add3A_1143 : i32
      %swap3A_1145 = arith.index_cast %add3A_1144 : i32 to index
      %swap3A_1146 = tpu.vector_load %arg9[%swap3A_1145] {strides = array<i32>} : memref<4096xf32, #tpu.memory_space<vmem>>, vector<16xf32>,
      %swap3A_1147 = vector.shape_cast %swap3A_1146 : vector<16xf32> to vector<16xf32>
      %swap3A_1148 = vector.shape_cast %add3A_1142 : vector<16xf32> to vector<16xf32>
      tpu.vector_store %arg9[%swap3A_1145], %swap3A_1148 {strides = array<i32>} : memref<4096xf32, #tpu.memory_space<vmem>>, vector<16xf32>,
    }
    %scan3A_387 = arith.constant 128 : i32
    %mul3A_388 = arith.constant 32 : i32
    %mul3A_389 = arith.muli %mul3A_2, %mul3A_388 : i32
    %add3A_390 = arith.constant 0 : i32
    %add3A_391 = arith.addi %add3A_390, %mul3A_389 : i32
    "tpu.region"() ({
      %run_scoped3A = tpu.sem_alloc : memref<!tpu.dma_semaphore, #tpu.memory_space<semaphore_mem>>
      %dma_start3A_785 = tpu.memref_slice %arg6[%add3A_391] : memref<262144xf32, #tpu.memory_space<hbm>> -> memref<4096xf32, #tpu.memory_space<hbm>>
      %dma_start3A_786 = tpu.memref_slice %arg6[%add3A_391] : memref<262144xf32, #tpu.memory_space<hbm>> -> memref<4096xf32, #tpu.memory_space<hbm>>
      tpu.enqueue_dma source(%arg9 : memref<4096xf32, #tpu.memory_space<vmem>>) target(%dma_start3A_786 : memref<4096xf32, #tpu.memory_space<hbm>>) target_semaphore(%run_scoped3A : memref<!tpu.dma_semaphore, #tpu.memory_space<semaphore_mem>>)
      %dma_wait3A_787 = tpu.memref_slice %arg6[%add3A_391] : memref<262144xf32, #tpu.memory_space<hbm>> -> memref<4096xf32, #tpu.memory_space<hbm>>
      %dma_wait3A_788 = tpu.memref_slice %arg6[%add3A_391] : memref<262144xf32, #tpu.memory_space<hbm>> -> memref<4096xf32, #tpu.memory_space<hbm>>
      tpu.wait_dma2 semaphore(%run_scoped3A : memref<!tpu.dma_semaphore, #tpu.memory_space<semaphore_mem>>) src(%arg9 : memref<4096xf32, #tpu.memory_space<vmem>>) dst(%dma_wait3A_788 : memref<4096xf32, #tpu.memory_space<hbm>>)
      tpu.yield
    }) : () -> ()
    %mul3A_392 = arith.constant 2560 : i32
    %mul3A_393 = arith.muli %add3A, %mul3A_392 : i32
    %add3A_394 = arith.constant 81920 : i32
    %add3A_395 = arith.addi %add3A_394, %mul3A_393 : i32
    "tpu.region"() ({
      %run_scoped3A = tpu.sem_alloc : memref<!tpu.dma_semaphore, #tpu.memory_space<semaphore_mem>>
      %dma_start3A_785 = tpu.memref_slice %arg2[%add3A_395] : memref<163840xi32, #tpu.memory_space<hbm>> -> memref<2560xi32, #tpu.memory_space<hbm>>
      %dma_start3A_786 = tpu.memref_slice %arg2[%add3A_395] : memref<163840xi32, #tpu.memory_space<hbm>> -> memref<2560xi32, #tpu.memory_space<hbm>>
      tpu.enqueue_dma source(%dma_start3A_786 : memref<2560xi32, #tpu.memory_space<hbm>>) target(%arg7 : memref<2560xi32, #tpu.memory_space<vmem>>) target_semaphore(%run_scoped3A : memref<!tpu.dma_semaphore, #tpu.memory_space<semaphore_mem>>)
      %dma_wait3A_787 = tpu.memref_slice %arg2[%add3A_395] : memref<163840xi32, #tpu.memory_space<hbm>> -> memref<2560xi32, #tpu.memory_space<hbm>>
      %dma_wait3A_788 = tpu.memref_slice %arg2[%add3A_395] : memref<163840xi32, #tpu.memory_space<hbm>> -> memref<2560xi32, #tpu.memory_space<hbm>>
      tpu.wait_dma2 semaphore(%run_scoped3A : memref<!tpu.dma_semaphore, #tpu.memory_space<semaphore_mem>>) src(%dma_wait3A_788 : memref<2560xi32, #tpu.memory_space<hbm>>) dst(%arg7 : memref<2560xi32, #tpu.memory_space<vmem>>)
      tpu.yield
    }) : () -> ()
    %dma_start3A_396 = arith.constant 0 : i32
    %dma_start3A_397 = arith.constant 0 : i32
    %dma_start3A_398 = tpu.memref_slice %arg8[%dma_start3A_396, %dma_start3A_397] : memref<2560x32xf32, #tpu.memory_space<vmem>> -> memref<128x32xf32, #tpu.memory_space<vmem>>
    %dma_start3A_399 = arith.constant 0 : i32
    %dma_start3A_400 = tpu.memref_slice %arg7[%dma_start3A_399] : memref<2560xi32, #tpu.memory_space<vmem>> -> memref<128xi32, #tpu.memory_space<vmem>>
    %dma_start3A_401 = arith.constant 0 : i32
    %dma_start3A_402 = arith.constant 0 : i32
    %dma_start3A_403 = tpu.memref_slice %arg4[%dma_start3A_401, %dma_start3A_402] : memref<1000000x32xf32, #tpu.memory_space<hbm>> -> memref<1000000x32xf32, #tpu.memory_space<hbm>>
    tpu.enqueue_indirect_dma source(%dma_start3A_403 : memref<1000000x32xf32, #tpu.memory_space<hbm>>) target(%dma_start3A_398 : memref<128x32xf32, #tpu.memory_space<vmem>>) offsets(%dma_start3A_400 : memref<128xi32, #tpu.memory_space<vmem>>) semaphore(%arg11 : memref<!tpu.dma_semaphore, #tpu.memory_space<semaphore_mem>>)
    %dma_start3A_404 = arith.constant 128 : i32
    %dma_start3A_405 = arith.constant 0 : i32
    %dma_start3A_406 = tpu.memref_slice %arg8[%dma_start3A_404, %dma_start3A_405] : memref<2560x32xf32, #tpu.memory_space<vmem>> -> memref<128x32xf32, #tpu.memory_space<vmem>>
    %dma_start3A_407 = arith.constant 128 : i32
    %dma_start3A_408 = tpu.memref_slice %arg7[%dma_start3A_407] : memref<2560xi32, #tpu.memory_space<vmem>> -> memref<128xi32, #tpu.memory_space<vmem>>
    %dma_start3A_409 = arith.constant 0 : i32
    %dma_start3A_410 = arith.constant 0 : i32
    %dma_start3A_411 = tpu.memref_slice %arg4[%dma_start3A_409, %dma_start3A_410] : memref<1000000x32xf32, #tpu.memory_space<hbm>> -> memref<1000000x32xf32, #tpu.memory_space<hbm>>
    tpu.enqueue_indirect_dma source(%dma_start3A_411 : memref<1000000x32xf32, #tpu.memory_space<hbm>>) target(%dma_start3A_406 : memref<128x32xf32, #tpu.memory_space<vmem>>) offsets(%dma_start3A_408 : memref<128xi32, #tpu.memory_space<vmem>>) semaphore(%arg11 : memref<!tpu.dma_semaphore, #tpu.memory_space<semaphore_mem>>)
    %dma_start3A_412 = arith.constant 256 : i32
    %dma_start3A_413 = arith.constant 0 : i32
    %dma_start3A_414 = tpu.memref_slice %arg8[%dma_start3A_412, %dma_start3A_413] : memref<2560x32xf32, #tpu.memory_space<vmem>> -> memref<128x32xf32, #tpu.memory_space<vmem>>
    %dma_start3A_415 = arith.constant 256 : i32
    %dma_start3A_416 = tpu.memref_slice %arg7[%dma_start3A_415] : memref<2560xi32, #tpu.memory_space<vmem>> -> memref<128xi32, #tpu.memory_space<vmem>>
    %dma_start3A_417 = arith.constant 0 : i32
    %dma_start3A_418 = arith.constant 0 : i32
    %dma_start3A_419 = tpu.memref_slice %arg4[%dma_start3A_417, %dma_start3A_418] : memref<1000000x32xf32, #tpu.memory_space<hbm>> -> memref<1000000x32xf32, #tpu.memory_space<hbm>>
    tpu.enqueue_indirect_dma source(%dma_start3A_419 : memref<1000000x32xf32, #tpu.memory_space<hbm>>) target(%dma_start3A_414 : memref<128x32xf32, #tpu.memory_space<vmem>>) offsets(%dma_start3A_416 : memref<128xi32, #tpu.memory_space<vmem>>) semaphore(%arg11 : memref<!tpu.dma_semaphore, #tpu.memory_space<semaphore_mem>>)
    %dma_start3A_420 = arith.constant 384 : i32
    %dma_start3A_421 = arith.constant 0 : i32
    %dma_start3A_422 = tpu.memref_slice %arg8[%dma_start3A_420, %dma_start3A_421] : memref<2560x32xf32, #tpu.memory_space<vmem>> -> memref<128x32xf32, #tpu.memory_space<vmem>>
    %dma_start3A_423 = arith.constant 384 : i32
    %dma_start3A_424 = tpu.memref_slice %arg7[%dma_start3A_423] : memref<2560xi32, #tpu.memory_space<vmem>> -> memref<128xi32, #tpu.memory_space<vmem>>
    %dma_start3A_425 = arith.constant 0 : i32
    %dma_start3A_426 = arith.constant 0 : i32
    %dma_start3A_427 = tpu.memref_slice %arg4[%dma_start3A_425, %dma_start3A_426] : memref<1000000x32xf32, #tpu.memory_space<hbm>> -> memref<1000000x32xf32, #tpu.memory_space<hbm>>
    tpu.enqueue_indirect_dma source(%dma_start3A_427 : memref<1000000x32xf32, #tpu.memory_space<hbm>>) target(%dma_start3A_422 : memref<128x32xf32, #tpu.memory_space<vmem>>) offsets(%dma_start3A_424 : memref<128xi32, #tpu.memory_space<vmem>>) semaphore(%arg11 : memref<!tpu.dma_semaphore, #tpu.memory_space<semaphore_mem>>)
    %dma_start3A_428 = arith.constant 512 : i32
    %dma_start3A_429 = arith.constant 0 : i32
    %dma_start3A_430 = tpu.memref_slice %arg8[%dma_start3A_428, %dma_start3A_429] : memref<2560x32xf32, #tpu.memory_space<vmem>> -> memref<128x32xf32, #tpu.memory_space<vmem>>
    %dma_start3A_431 = arith.constant 512 : i32
    %dma_start3A_432 = tpu.memref_slice %arg7[%dma_start3A_431] : memref<2560xi32, #tpu.memory_space<vmem>> -> memref<128xi32, #tpu.memory_space<vmem>>
    %dma_start3A_433 = arith.constant 0 : i32
    %dma_start3A_434 = arith.constant 0 : i32
    %dma_start3A_435 = tpu.memref_slice %arg4[%dma_start3A_433, %dma_start3A_434] : memref<1000000x32xf32, #tpu.memory_space<hbm>> -> memref<1000000x32xf32, #tpu.memory_space<hbm>>
    tpu.enqueue_indirect_dma source(%dma_start3A_435 : memref<1000000x32xf32, #tpu.memory_space<hbm>>) target(%dma_start3A_430 : memref<128x32xf32, #tpu.memory_space<vmem>>) offsets(%dma_start3A_432 : memref<128xi32, #tpu.memory_space<vmem>>) semaphore(%arg11 : memref<!tpu.dma_semaphore, #tpu.memory_space<semaphore_mem>>)
    %dma_start3A_436 = arith.constant 640 : i32
    %dma_start3A_437 = arith.constant 0 : i32
    %dma_start3A_438 = tpu.memref_slice %arg8[%dma_start3A_436, %dma_start3A_437] : memref<2560x32xf32, #tpu.memory_space<vmem>> -> memref<128x32xf32, #tpu.memory_space<vmem>>
    %dma_start3A_439 = arith.constant 640 : i32
    %dma_start3A_440 = tpu.memref_slice %arg7[%dma_start3A_439] : memref<2560xi32, #tpu.memory_space<vmem>> -> memref<128xi32, #tpu.memory_space<vmem>>
    %dma_start3A_441 = arith.constant 0 : i32
    %dma_start3A_442 = arith.constant 0 : i32
    %dma_start3A_443 = tpu.memref_slice %arg4[%dma_start3A_441, %dma_start3A_442] : memref<1000000x32xf32, #tpu.memory_space<hbm>> -> memref<1000000x32xf32, #tpu.memory_space<hbm>>
    tpu.enqueue_indirect_dma source(%dma_start3A_443 : memref<1000000x32xf32, #tpu.memory_space<hbm>>) target(%dma_start3A_438 : memref<128x32xf32, #tpu.memory_space<vmem>>) offsets(%dma_start3A_440 : memref<128xi32, #tpu.memory_space<vmem>>) semaphore(%arg11 : memref<!tpu.dma_semaphore, #tpu.memory_space<semaphore_mem>>)
    %dma_start3A_444 = arith.constant 768 : i32
    %dma_start3A_445 = arith.constant 0 : i32
    %dma_start3A_446 = tpu.memref_slice %arg8[%dma_start3A_444, %dma_start3A_445] : memref<2560x32xf32, #tpu.memory_space<vmem>> -> memref<128x32xf32, #tpu.memory_space<vmem>>
    %dma_start3A_447 = arith.constant 768 : i32
    %dma_start3A_448 = tpu.memref_slice %arg7[%dma_start3A_447] : memref<2560xi32, #tpu.memory_space<vmem>> -> memref<128xi32, #tpu.memory_space<vmem>>
    %dma_start3A_449 = arith.constant 0 : i32
    %dma_start3A_450 = arith.constant 0 : i32
    %dma_start3A_451 = tpu.memref_slice %arg4[%dma_start3A_449, %dma_start3A_450] : memref<1000000x32xf32, #tpu.memory_space<hbm>> -> memref<1000000x32xf32, #tpu.memory_space<hbm>>
    tpu.enqueue_indirect_dma source(%dma_start3A_451 : memref<1000000x32xf32, #tpu.memory_space<hbm>>) target(%dma_start3A_446 : memref<128x32xf32, #tpu.memory_space<vmem>>) offsets(%dma_start3A_448 : memref<128xi32, #tpu.memory_space<vmem>>) semaphore(%arg11 : memref<!tpu.dma_semaphore, #tpu.memory_space<semaphore_mem>>)
    %dma_start3A_452 = arith.constant 896 : i32
    %dma_start3A_453 = arith.constant 0 : i32
    %dma_start3A_454 = tpu.memref_slice %arg8[%dma_start3A_452, %dma_start3A_453] : memref<2560x32xf32, #tpu.memory_space<vmem>> -> memref<128x32xf32, #tpu.memory_space<vmem>>
    %dma_start3A_455 = arith.constant 896 : i32
    %dma_start3A_456 = tpu.memref_slice %arg7[%dma_start3A_455] : memref<2560xi32, #tpu.memory_space<vmem>> -> memref<128xi32, #tpu.memory_space<vmem>>
    %dma_start3A_457 = arith.constant 0 : i32
    %dma_start3A_458 = arith.constant 0 : i32
    %dma_start3A_459 = tpu.memref_slice %arg4[%dma_start3A_457, %dma_start3A_458] : memref<1000000x32xf32, #tpu.memory_space<hbm>> -> memref<1000000x32xf32, #tpu.memory_space<hbm>>
    tpu.enqueue_indirect_dma source(%dma_start3A_459 : memref<1000000x32xf32, #tpu.memory_space<hbm>>) target(%dma_start3A_454 : memref<128x32xf32, #tpu.memory_space<vmem>>) offsets(%dma_start3A_456 : memref<128xi32, #tpu.memory_space<vmem>>) semaphore(%arg11 : memref<!tpu.dma_semaphore, #tpu.memory_space<semaphore_mem>>)
    %dma_start3A_460 = arith.constant 1024 : i32
    %dma_start3A_461 = arith.constant 0 : i32
    %dma_start3A_462 = tpu.memref_slice %arg8[%dma_start3A_460, %dma_start3A_461] : memref<2560x32xf32, #tpu.memory_space<vmem>> -> memref<128x32xf32, #tpu.memory_space<vmem>>
    %dma_start3A_463 = arith.constant 1024 : i32
    %dma_start3A_464 = tpu.memref_slice %arg7[%dma_start3A_463] : memref<2560xi32, #tpu.memory_space<vmem>> -> memref<128xi32, #tpu.memory_space<vmem>>
    %dma_start3A_465 = arith.constant 0 : i32
    %dma_start3A_466 = arith.constant 0 : i32
    %dma_start3A_467 = tpu.memref_slice %arg4[%dma_start3A_465, %dma_start3A_466] : memref<1000000x32xf32, #tpu.memory_space<hbm>> -> memref<1000000x32xf32, #tpu.memory_space<hbm>>
    tpu.enqueue_indirect_dma source(%dma_start3A_467 : memref<1000000x32xf32, #tpu.memory_space<hbm>>) target(%dma_start3A_462 : memref<128x32xf32, #tpu.memory_space<vmem>>) offsets(%dma_start3A_464 : memref<128xi32, #tpu.memory_space<vmem>>) semaphore(%arg11 : memref<!tpu.dma_semaphore, #tpu.memory_space<semaphore_mem>>)
    %dma_start3A_468 = arith.constant 1152 : i32
    %dma_start3A_469 = arith.constant 0 : i32
    %dma_start3A_470 = tpu.memref_slice %arg8[%dma_start3A_468, %dma_start3A_469] : memref<2560x32xf32, #tpu.memory_space<vmem>> -> memref<128x32xf32, #tpu.memory_space<vmem>>
    %dma_start3A_471 = arith.constant 1152 : i32
    %dma_start3A_472 = tpu.memref_slice %arg7[%dma_start3A_471] : memref<2560xi32, #tpu.memory_space<vmem>> -> memref<128xi32, #tpu.memory_space<vmem>>
    %dma_start3A_473 = arith.constant 0 : i32
    %dma_start3A_474 = arith.constant 0 : i32
    %dma_start3A_475 = tpu.memref_slice %arg4[%dma_start3A_473, %dma_start3A_474] : memref<1000000x32xf32, #tpu.memory_space<hbm>> -> memref<1000000x32xf32, #tpu.memory_space<hbm>>
    tpu.enqueue_indirect_dma source(%dma_start3A_475 : memref<1000000x32xf32, #tpu.memory_space<hbm>>) target(%dma_start3A_470 : memref<128x32xf32, #tpu.memory_space<vmem>>) offsets(%dma_start3A_472 : memref<128xi32, #tpu.memory_space<vmem>>) semaphore(%arg11 : memref<!tpu.dma_semaphore, #tpu.memory_space<semaphore_mem>>)
    %dma_start3A_476 = arith.constant 1280 : i32
    %dma_start3A_477 = arith.constant 0 : i32
    %dma_start3A_478 = tpu.memref_slice %arg8[%dma_start3A_476, %dma_start3A_477] : memref<2560x32xf32, #tpu.memory_space<vmem>> -> memref<128x32xf32, #tpu.memory_space<vmem>>
    %dma_start3A_479 = arith.constant 1280 : i32
    %dma_start3A_480 = tpu.memref_slice %arg7[%dma_start3A_479] : memref<2560xi32, #tpu.memory_space<vmem>> -> memref<128xi32, #tpu.memory_space<vmem>>
    %dma_start3A_481 = arith.constant 0 : i32
    %dma_start3A_482 = arith.constant 0 : i32
    %dma_start3A_483 = tpu.memref_slice %arg4[%dma_start3A_481, %dma_start3A_482] : memref<1000000x32xf32, #tpu.memory_space<hbm>> -> memref<1000000x32xf32, #tpu.memory_space<hbm>>
    tpu.enqueue_indirect_dma source(%dma_start3A_483 : memref<1000000x32xf32, #tpu.memory_space<hbm>>) target(%dma_start3A_478 : memref<128x32xf32, #tpu.memory_space<vmem>>) offsets(%dma_start3A_480 : memref<128xi32, #tpu.memory_space<vmem>>) semaphore(%arg11 : memref<!tpu.dma_semaphore, #tpu.memory_space<semaphore_mem>>)
    %dma_start3A_484 = arith.constant 1408 : i32
    %dma_start3A_485 = arith.constant 0 : i32
    %dma_start3A_486 = tpu.memref_slice %arg8[%dma_start3A_484, %dma_start3A_485] : memref<2560x32xf32, #tpu.memory_space<vmem>> -> memref<128x32xf32, #tpu.memory_space<vmem>>
    %dma_start3A_487 = arith.constant 1408 : i32
    %dma_start3A_488 = tpu.memref_slice %arg7[%dma_start3A_487] : memref<2560xi32, #tpu.memory_space<vmem>> -> memref<128xi32, #tpu.memory_space<vmem>>
    %dma_start3A_489 = arith.constant 0 : i32
    %dma_start3A_490 = arith.constant 0 : i32
    %dma_start3A_491 = tpu.memref_slice %arg4[%dma_start3A_489, %dma_start3A_490] : memref<1000000x32xf32, #tpu.memory_space<hbm>> -> memref<1000000x32xf32, #tpu.memory_space<hbm>>
    tpu.enqueue_indirect_dma source(%dma_start3A_491 : memref<1000000x32xf32, #tpu.memory_space<hbm>>) target(%dma_start3A_486 : memref<128x32xf32, #tpu.memory_space<vmem>>) offsets(%dma_start3A_488 : memref<128xi32, #tpu.memory_space<vmem>>) semaphore(%arg11 : memref<!tpu.dma_semaphore, #tpu.memory_space<semaphore_mem>>)
    %dma_start3A_492 = arith.constant 1536 : i32
    %dma_start3A_493 = arith.constant 0 : i32
    %dma_start3A_494 = tpu.memref_slice %arg8[%dma_start3A_492, %dma_start3A_493] : memref<2560x32xf32, #tpu.memory_space<vmem>> -> memref<128x32xf32, #tpu.memory_space<vmem>>
    %dma_start3A_495 = arith.constant 1536 : i32
    %dma_start3A_496 = tpu.memref_slice %arg7[%dma_start3A_495] : memref<2560xi32, #tpu.memory_space<vmem>> -> memref<128xi32, #tpu.memory_space<vmem>>
    %dma_start3A_497 = arith.constant 0 : i32
    %dma_start3A_498 = arith.constant 0 : i32
    %dma_start3A_499 = tpu.memref_slice %arg4[%dma_start3A_497, %dma_start3A_498] : memref<1000000x32xf32, #tpu.memory_space<hbm>> -> memref<1000000x32xf32, #tpu.memory_space<hbm>>
    tpu.enqueue_indirect_dma source(%dma_start3A_499 : memref<1000000x32xf32, #tpu.memory_space<hbm>>) target(%dma_start3A_494 : memref<128x32xf32, #tpu.memory_space<vmem>>) offsets(%dma_start3A_496 : memref<128xi32, #tpu.memory_space<vmem>>) semaphore(%arg11 : memref<!tpu.dma_semaphore, #tpu.memory_space<semaphore_mem>>)
    %dma_start3A_500 = arith.constant 1664 : i32
    %dma_start3A_501 = arith.constant 0 : i32
    %dma_start3A_502 = tpu.memref_slice %arg8[%dma_start3A_500, %dma_start3A_501] : memref<2560x32xf32, #tpu.memory_space<vmem>> -> memref<128x32xf32, #tpu.memory_space<vmem>>
    %dma_start3A_503 = arith.constant 1664 : i32
    %dma_start3A_504 = tpu.memref_slice %arg7[%dma_start3A_503] : memref<2560xi32, #tpu.memory_space<vmem>> -> memref<128xi32, #tpu.memory_space<vmem>>
    %dma_start3A_505 = arith.constant 0 : i32
    %dma_start3A_506 = arith.constant 0 : i32
    %dma_start3A_507 = tpu.memref_slice %arg4[%dma_start3A_505, %dma_start3A_506] : memref<1000000x32xf32, #tpu.memory_space<hbm>> -> memref<1000000x32xf32, #tpu.memory_space<hbm>>
    tpu.enqueue_indirect_dma source(%dma_start3A_507 : memref<1000000x32xf32, #tpu.memory_space<hbm>>) target(%dma_start3A_502 : memref<128x32xf32, #tpu.memory_space<vmem>>) offsets(%dma_start3A_504 : memref<128xi32, #tpu.memory_space<vmem>>) semaphore(%arg11 : memref<!tpu.dma_semaphore, #tpu.memory_space<semaphore_mem>>)
    %dma_start3A_508 = arith.constant 1792 : i32
    %dma_start3A_509 = arith.constant 0 : i32
    %dma_start3A_510 = tpu.memref_slice %arg8[%dma_start3A_508, %dma_start3A_509] : memref<2560x32xf32, #tpu.memory_space<vmem>> -> memref<128x32xf32, #tpu.memory_space<vmem>>
    %dma_start3A_511 = arith.constant 1792 : i32
    %dma_start3A_512 = tpu.memref_slice %arg7[%dma_start3A_511] : memref<2560xi32, #tpu.memory_space<vmem>> -> memref<128xi32, #tpu.memory_space<vmem>>
    %dma_start3A_513 = arith.constant 0 : i32
    %dma_start3A_514 = arith.constant 0 : i32
    %dma_start3A_515 = tpu.memref_slice %arg4[%dma_start3A_513, %dma_start3A_514] : memref<1000000x32xf32, #tpu.memory_space<hbm>> -> memref<1000000x32xf32, #tpu.memory_space<hbm>>
    tpu.enqueue_indirect_dma source(%dma_start3A_515 : memref<1000000x32xf32, #tpu.memory_space<hbm>>) target(%dma_start3A_510 : memref<128x32xf32, #tpu.memory_space<vmem>>) offsets(%dma_start3A_512 : memref<128xi32, #tpu.memory_space<vmem>>) semaphore(%arg11 : memref<!tpu.dma_semaphore, #tpu.memory_space<semaphore_mem>>)
    %dma_start3A_516 = arith.constant 1920 : i32
    %dma_start3A_517 = arith.constant 0 : i32
    %dma_start3A_518 = tpu.memref_slice %arg8[%dma_start3A_516, %dma_start3A_517] : memref<2560x32xf32, #tpu.memory_space<vmem>> -> memref<128x32xf32, #tpu.memory_space<vmem>>
    %dma_start3A_519 = arith.constant 1920 : i32
    %dma_start3A_520 = tpu.memref_slice %arg7[%dma_start3A_519] : memref<2560xi32, #tpu.memory_space<vmem>> -> memref<128xi32, #tpu.memory_space<vmem>>
    %dma_start3A_521 = arith.constant 0 : i32
    %dma_start3A_522 = arith.constant 0 : i32
    %dma_start3A_523 = tpu.memref_slice %arg4[%dma_start3A_521, %dma_start3A_522] : memref<1000000x32xf32, #tpu.memory_space<hbm>> -> memref<1000000x32xf32, #tpu.memory_space<hbm>>
    tpu.enqueue_indirect_dma source(%dma_start3A_523 : memref<1000000x32xf32, #tpu.memory_space<hbm>>) target(%dma_start3A_518 : memref<128x32xf32, #tpu.memory_space<vmem>>) offsets(%dma_start3A_520 : memref<128xi32, #tpu.memory_space<vmem>>) semaphore(%arg11 : memref<!tpu.dma_semaphore, #tpu.memory_space<semaphore_mem>>)
    %dma_start3A_524 = arith.constant 2048 : i32
    %dma_start3A_525 = arith.constant 0 : i32
    %dma_start3A_526 = tpu.memref_slice %arg8[%dma_start3A_524, %dma_start3A_525] : memref<2560x32xf32, #tpu.memory_space<vmem>> -> memref<128x32xf32, #tpu.memory_space<vmem>>
    %dma_start3A_527 = arith.constant 2048 : i32
    %dma_start3A_528 = tpu.memref_slice %arg7[%dma_start3A_527] : memref<2560xi32, #tpu.memory_space<vmem>> -> memref<128xi32, #tpu.memory_space<vmem>>
    %dma_start3A_529 = arith.constant 0 : i32
    %dma_start3A_530 = arith.constant 0 : i32
    %dma_start3A_531 = tpu.memref_slice %arg4[%dma_start3A_529, %dma_start3A_530] : memref<1000000x32xf32, #tpu.memory_space<hbm>> -> memref<1000000x32xf32, #tpu.memory_space<hbm>>
    tpu.enqueue_indirect_dma source(%dma_start3A_531 : memref<1000000x32xf32, #tpu.memory_space<hbm>>) target(%dma_start3A_526 : memref<128x32xf32, #tpu.memory_space<vmem>>) offsets(%dma_start3A_528 : memref<128xi32, #tpu.memory_space<vmem>>) semaphore(%arg11 : memref<!tpu.dma_semaphore, #tpu.memory_space<semaphore_mem>>)
    %dma_start3A_532 = arith.constant 2176 : i32
    %dma_start3A_533 = arith.constant 0 : i32
    %dma_start3A_534 = tpu.memref_slice %arg8[%dma_start3A_532, %dma_start3A_533] : memref<2560x32xf32, #tpu.memory_space<vmem>> -> memref<128x32xf32, #tpu.memory_space<vmem>>
    %dma_start3A_535 = arith.constant 2176 : i32
    %dma_start3A_536 = tpu.memref_slice %arg7[%dma_start3A_535] : memref<2560xi32, #tpu.memory_space<vmem>> -> memref<128xi32, #tpu.memory_space<vmem>>
    %dma_start3A_537 = arith.constant 0 : i32
    %dma_start3A_538 = arith.constant 0 : i32
    %dma_start3A_539 = tpu.memref_slice %arg4[%dma_start3A_537, %dma_start3A_538] : memref<1000000x32xf32, #tpu.memory_space<hbm>> -> memref<1000000x32xf32, #tpu.memory_space<hbm>>
    tpu.enqueue_indirect_dma source(%dma_start3A_539 : memref<1000000x32xf32, #tpu.memory_space<hbm>>) target(%dma_start3A_534 : memref<128x32xf32, #tpu.memory_space<vmem>>) offsets(%dma_start3A_536 : memref<128xi32, #tpu.memory_space<vmem>>) semaphore(%arg11 : memref<!tpu.dma_semaphore, #tpu.memory_space<semaphore_mem>>)
    %dma_start3A_540 = arith.constant 2304 : i32
    %dma_start3A_541 = arith.constant 0 : i32
    %dma_start3A_542 = tpu.memref_slice %arg8[%dma_start3A_540, %dma_start3A_541] : memref<2560x32xf32, #tpu.memory_space<vmem>> -> memref<128x32xf32, #tpu.memory_space<vmem>>
    %dma_start3A_543 = arith.constant 2304 : i32
    %dma_start3A_544 = tpu.memref_slice %arg7[%dma_start3A_543] : memref<2560xi32, #tpu.memory_space<vmem>> -> memref<128xi32, #tpu.memory_space<vmem>>
    %dma_start3A_545 = arith.constant 0 : i32
    %dma_start3A_546 = arith.constant 0 : i32
    %dma_start3A_547 = tpu.memref_slice %arg4[%dma_start3A_545, %dma_start3A_546] : memref<1000000x32xf32, #tpu.memory_space<hbm>> -> memref<1000000x32xf32, #tpu.memory_space<hbm>>
    tpu.enqueue_indirect_dma source(%dma_start3A_547 : memref<1000000x32xf32, #tpu.memory_space<hbm>>) target(%dma_start3A_542 : memref<128x32xf32, #tpu.memory_space<vmem>>) offsets(%dma_start3A_544 : memref<128xi32, #tpu.memory_space<vmem>>) semaphore(%arg11 : memref<!tpu.dma_semaphore, #tpu.memory_space<semaphore_mem>>)
    %dma_start3A_548 = arith.constant 2432 : i32
    %dma_start3A_549 = arith.constant 0 : i32
    %dma_start3A_550 = tpu.memref_slice %arg8[%dma_start3A_548, %dma_start3A_549] : memref<2560x32xf32, #tpu.memory_space<vmem>> -> memref<128x32xf32, #tpu.memory_space<vmem>>
    %dma_start3A_551 = arith.constant 2432 : i32
    %dma_start3A_552 = tpu.memref_slice %arg7[%dma_start3A_551] : memref<2560xi32, #tpu.memory_space<vmem>> -> memref<128xi32, #tpu.memory_space<vmem>>
    %dma_start3A_553 = arith.constant 0 : i32
    %dma_start3A_554 = arith.constant 0 : i32
    %dma_start3A_555 = tpu.memref_slice %arg4[%dma_start3A_553, %dma_start3A_554] : memref<1000000x32xf32, #tpu.memory_space<hbm>> -> memref<1000000x32xf32, #tpu.memory_space<hbm>>
    tpu.enqueue_indirect_dma source(%dma_start3A_555 : memref<1000000x32xf32, #tpu.memory_space<hbm>>) target(%dma_start3A_550 : memref<128x32xf32, #tpu.memory_space<vmem>>) offsets(%dma_start3A_552 : memref<128xi32, #tpu.memory_space<vmem>>) semaphore(%arg11 : memref<!tpu.dma_semaphore, #tpu.memory_space<semaphore_mem>>)
    %dma_wait3A_556 = arith.constant 0 : i32
    %dma_wait3A_557 = arith.constant 0 : i32
    %dma_wait3A_558 = tpu.memref_slice %arg8[%dma_wait3A_556, %dma_wait3A_557] : memref<2560x32xf32, #tpu.memory_space<vmem>> -> memref<128x32xf32, #tpu.memory_space<vmem>>
    %dma_wait3A_559 = arith.constant 0 : i32
    %dma_wait3A_560 = tpu.memref_slice %arg7[%dma_wait3A_559] : memref<2560xi32, #tpu.memory_space<vmem>> -> memref<128xi32, #tpu.memory_space<vmem>>
    %dma_wait3A_561 = arith.constant 0 : i32
    %dma_wait3A_562 = arith.constant 0 : i32
    %dma_wait3A_563 = tpu.memref_slice %arg4[%dma_wait3A_561, %dma_wait3A_562] : memref<1000000x32xf32, #tpu.memory_space<hbm>> -> memref<1000000x32xf32, #tpu.memory_space<hbm>>
    tpu.wait_indirect_dma semaphore(%arg11 : memref<!tpu.dma_semaphore, #tpu.memory_space<semaphore_mem>>) src(%dma_wait3A_563 : memref<1000000x32xf32, #tpu.memory_space<hbm>>) dst(%dma_wait3A_558 : memref<128x32xf32, #tpu.memory_space<vmem>>)
    %dma_wait3A_564 = arith.constant 128 : i32
    %dma_wait3A_565 = arith.constant 0 : i32
    %dma_wait3A_566 = tpu.memref_slice %arg8[%dma_wait3A_564, %dma_wait3A_565] : memref<2560x32xf32, #tpu.memory_space<vmem>> -> memref<128x32xf32, #tpu.memory_space<vmem>>
    %dma_wait3A_567 = arith.constant 128 : i32
    %dma_wait3A_568 = tpu.memref_slice %arg7[%dma_wait3A_567] : memref<2560xi32, #tpu.memory_space<vmem>> -> memref<128xi32, #tpu.memory_space<vmem>>
    %dma_wait3A_569 = arith.constant 0 : i32
    %dma_wait3A_570 = arith.constant 0 : i32
    %dma_wait3A_571 = tpu.memref_slice %arg4[%dma_wait3A_569, %dma_wait3A_570] : memref<1000000x32xf32, #tpu.memory_space<hbm>> -> memref<1000000x32xf32, #tpu.memory_space<hbm>>
    tpu.wait_indirect_dma semaphore(%arg11 : memref<!tpu.dma_semaphore, #tpu.memory_space<semaphore_mem>>) src(%dma_wait3A_571 : memref<1000000x32xf32, #tpu.memory_space<hbm>>) dst(%dma_wait3A_566 : memref<128x32xf32, #tpu.memory_space<vmem>>)
    %dma_wait3A_572 = arith.constant 256 : i32
    %dma_wait3A_573 = arith.constant 0 : i32
    %dma_wait3A_574 = tpu.memref_slice %arg8[%dma_wait3A_572, %dma_wait3A_573] : memref<2560x32xf32, #tpu.memory_space<vmem>> -> memref<128x32xf32, #tpu.memory_space<vmem>>
    %dma_wait3A_575 = arith.constant 256 : i32
    %dma_wait3A_576 = tpu.memref_slice %arg7[%dma_wait3A_575] : memref<2560xi32, #tpu.memory_space<vmem>> -> memref<128xi32, #tpu.memory_space<vmem>>
    %dma_wait3A_577 = arith.constant 0 : i32
    %dma_wait3A_578 = arith.constant 0 : i32
    %dma_wait3A_579 = tpu.memref_slice %arg4[%dma_wait3A_577, %dma_wait3A_578] : memref<1000000x32xf32, #tpu.memory_space<hbm>> -> memref<1000000x32xf32, #tpu.memory_space<hbm>>
    tpu.wait_indirect_dma semaphore(%arg11 : memref<!tpu.dma_semaphore, #tpu.memory_space<semaphore_mem>>) src(%dma_wait3A_579 : memref<1000000x32xf32, #tpu.memory_space<hbm>>) dst(%dma_wait3A_574 : memref<128x32xf32, #tpu.memory_space<vmem>>)
    %dma_wait3A_580 = arith.constant 384 : i32
    %dma_wait3A_581 = arith.constant 0 : i32
    %dma_wait3A_582 = tpu.memref_slice %arg8[%dma_wait3A_580, %dma_wait3A_581] : memref<2560x32xf32, #tpu.memory_space<vmem>> -> memref<128x32xf32, #tpu.memory_space<vmem>>
    %dma_wait3A_583 = arith.constant 384 : i32
    %dma_wait3A_584 = tpu.memref_slice %arg7[%dma_wait3A_583] : memref<2560xi32, #tpu.memory_space<vmem>> -> memref<128xi32, #tpu.memory_space<vmem>>
    %dma_wait3A_585 = arith.constant 0 : i32
    %dma_wait3A_586 = arith.constant 0 : i32
    %dma_wait3A_587 = tpu.memref_slice %arg4[%dma_wait3A_585, %dma_wait3A_586] : memref<1000000x32xf32, #tpu.memory_space<hbm>> -> memref<1000000x32xf32, #tpu.memory_space<hbm>>
    tpu.wait_indirect_dma semaphore(%arg11 : memref<!tpu.dma_semaphore, #tpu.memory_space<semaphore_mem>>) src(%dma_wait3A_587 : memref<1000000x32xf32, #tpu.memory_space<hbm>>) dst(%dma_wait3A_582 : memref<128x32xf32, #tpu.memory_space<vmem>>)
    %dma_wait3A_588 = arith.constant 512 : i32
    %dma_wait3A_589 = arith.constant 0 : i32
    %dma_wait3A_590 = tpu.memref_slice %arg8[%dma_wait3A_588, %dma_wait3A_589] : memref<2560x32xf32, #tpu.memory_space<vmem>> -> memref<128x32xf32, #tpu.memory_space<vmem>>
    %dma_wait3A_591 = arith.constant 512 : i32
    %dma_wait3A_592 = tpu.memref_slice %arg7[%dma_wait3A_591] : memref<2560xi32, #tpu.memory_space<vmem>> -> memref<128xi32, #tpu.memory_space<vmem>>
    %dma_wait3A_593 = arith.constant 0 : i32
    %dma_wait3A_594 = arith.constant 0 : i32
    %dma_wait3A_595 = tpu.memref_slice %arg4[%dma_wait3A_593, %dma_wait3A_594] : memref<1000000x32xf32, #tpu.memory_space<hbm>> -> memref<1000000x32xf32, #tpu.memory_space<hbm>>
    tpu.wait_indirect_dma semaphore(%arg11 : memref<!tpu.dma_semaphore, #tpu.memory_space<semaphore_mem>>) src(%dma_wait3A_595 : memref<1000000x32xf32, #tpu.memory_space<hbm>>) dst(%dma_wait3A_590 : memref<128x32xf32, #tpu.memory_space<vmem>>)
    %dma_wait3A_596 = arith.constant 640 : i32
    %dma_wait3A_597 = arith.constant 0 : i32
    %dma_wait3A_598 = tpu.memref_slice %arg8[%dma_wait3A_596, %dma_wait3A_597] : memref<2560x32xf32, #tpu.memory_space<vmem>> -> memref<128x32xf32, #tpu.memory_space<vmem>>
    %dma_wait3A_599 = arith.constant 640 : i32
    %dma_wait3A_600 = tpu.memref_slice %arg7[%dma_wait3A_599] : memref<2560xi32, #tpu.memory_space<vmem>> -> memref<128xi32, #tpu.memory_space<vmem>>
    %dma_wait3A_601 = arith.constant 0 : i32
    %dma_wait3A_602 = arith.constant 0 : i32
    %dma_wait3A_603 = tpu.memref_slice %arg4[%dma_wait3A_601, %dma_wait3A_602] : memref<1000000x32xf32, #tpu.memory_space<hbm>> -> memref<1000000x32xf32, #tpu.memory_space<hbm>>
    tpu.wait_indirect_dma semaphore(%arg11 : memref<!tpu.dma_semaphore, #tpu.memory_space<semaphore_mem>>) src(%dma_wait3A_603 : memref<1000000x32xf32, #tpu.memory_space<hbm>>) dst(%dma_wait3A_598 : memref<128x32xf32, #tpu.memory_space<vmem>>)
    %dma_wait3A_604 = arith.constant 768 : i32
    %dma_wait3A_605 = arith.constant 0 : i32
    %dma_wait3A_606 = tpu.memref_slice %arg8[%dma_wait3A_604, %dma_wait3A_605] : memref<2560x32xf32, #tpu.memory_space<vmem>> -> memref<128x32xf32, #tpu.memory_space<vmem>>
    %dma_wait3A_607 = arith.constant 768 : i32
    %dma_wait3A_608 = tpu.memref_slice %arg7[%dma_wait3A_607] : memref<2560xi32, #tpu.memory_space<vmem>> -> memref<128xi32, #tpu.memory_space<vmem>>
    %dma_wait3A_609 = arith.constant 0 : i32
    %dma_wait3A_610 = arith.constant 0 : i32
    %dma_wait3A_611 = tpu.memref_slice %arg4[%dma_wait3A_609, %dma_wait3A_610] : memref<1000000x32xf32, #tpu.memory_space<hbm>> -> memref<1000000x32xf32, #tpu.memory_space<hbm>>
    tpu.wait_indirect_dma semaphore(%arg11 : memref<!tpu.dma_semaphore, #tpu.memory_space<semaphore_mem>>) src(%dma_wait3A_611 : memref<1000000x32xf32, #tpu.memory_space<hbm>>) dst(%dma_wait3A_606 : memref<128x32xf32, #tpu.memory_space<vmem>>)
    %dma_wait3A_612 = arith.constant 896 : i32
    %dma_wait3A_613 = arith.constant 0 : i32
    %dma_wait3A_614 = tpu.memref_slice %arg8[%dma_wait3A_612, %dma_wait3A_613] : memref<2560x32xf32, #tpu.memory_space<vmem>> -> memref<128x32xf32, #tpu.memory_space<vmem>>
    %dma_wait3A_615 = arith.constant 896 : i32
    %dma_wait3A_616 = tpu.memref_slice %arg7[%dma_wait3A_615] : memref<2560xi32, #tpu.memory_space<vmem>> -> memref<128xi32, #tpu.memory_space<vmem>>
    %dma_wait3A_617 = arith.constant 0 : i32
    %dma_wait3A_618 = arith.constant 0 : i32
    %dma_wait3A_619 = tpu.memref_slice %arg4[%dma_wait3A_617, %dma_wait3A_618] : memref<1000000x32xf32, #tpu.memory_space<hbm>> -> memref<1000000x32xf32, #tpu.memory_space<hbm>>
    tpu.wait_indirect_dma semaphore(%arg11 : memref<!tpu.dma_semaphore, #tpu.memory_space<semaphore_mem>>) src(%dma_wait3A_619 : memref<1000000x32xf32, #tpu.memory_space<hbm>>) dst(%dma_wait3A_614 : memref<128x32xf32, #tpu.memory_space<vmem>>)
    %dma_wait3A_620 = arith.constant 1024 : i32
    %dma_wait3A_621 = arith.constant 0 : i32
    %dma_wait3A_622 = tpu.memref_slice %arg8[%dma_wait3A_620, %dma_wait3A_621] : memref<2560x32xf32, #tpu.memory_space<vmem>> -> memref<128x32xf32, #tpu.memory_space<vmem>>
    %dma_wait3A_623 = arith.constant 1024 : i32
    %dma_wait3A_624 = tpu.memref_slice %arg7[%dma_wait3A_623] : memref<2560xi32, #tpu.memory_space<vmem>> -> memref<128xi32, #tpu.memory_space<vmem>>
    %dma_wait3A_625 = arith.constant 0 : i32
    %dma_wait3A_626 = arith.constant 0 : i32
    %dma_wait3A_627 = tpu.memref_slice %arg4[%dma_wait3A_625, %dma_wait3A_626] : memref<1000000x32xf32, #tpu.memory_space<hbm>> -> memref<1000000x32xf32, #tpu.memory_space<hbm>>
    tpu.wait_indirect_dma semaphore(%arg11 : memref<!tpu.dma_semaphore, #tpu.memory_space<semaphore_mem>>) src(%dma_wait3A_627 : memref<1000000x32xf32, #tpu.memory_space<hbm>>) dst(%dma_wait3A_622 : memref<128x32xf32, #tpu.memory_space<vmem>>)
    %dma_wait3A_628 = arith.constant 1152 : i32
    %dma_wait3A_629 = arith.constant 0 : i32
    %dma_wait3A_630 = tpu.memref_slice %arg8[%dma_wait3A_628, %dma_wait3A_629] : memref<2560x32xf32, #tpu.memory_space<vmem>> -> memref<128x32xf32, #tpu.memory_space<vmem>>
    %dma_wait3A_631 = arith.constant 1152 : i32
    %dma_wait3A_632 = tpu.memref_slice %arg7[%dma_wait3A_631] : memref<2560xi32, #tpu.memory_space<vmem>> -> memref<128xi32, #tpu.memory_space<vmem>>
    %dma_wait3A_633 = arith.constant 0 : i32
    %dma_wait3A_634 = arith.constant 0 : i32
    %dma_wait3A_635 = tpu.memref_slice %arg4[%dma_wait3A_633, %dma_wait3A_634] : memref<1000000x32xf32, #tpu.memory_space<hbm>> -> memref<1000000x32xf32, #tpu.memory_space<hbm>>
    tpu.wait_indirect_dma semaphore(%arg11 : memref<!tpu.dma_semaphore, #tpu.memory_space<semaphore_mem>>) src(%dma_wait3A_635 : memref<1000000x32xf32, #tpu.memory_space<hbm>>) dst(%dma_wait3A_630 : memref<128x32xf32, #tpu.memory_space<vmem>>)
    %dma_wait3A_636 = arith.constant 1280 : i32
    %dma_wait3A_637 = arith.constant 0 : i32
    %dma_wait3A_638 = tpu.memref_slice %arg8[%dma_wait3A_636, %dma_wait3A_637] : memref<2560x32xf32, #tpu.memory_space<vmem>> -> memref<128x32xf32, #tpu.memory_space<vmem>>
    %dma_wait3A_639 = arith.constant 1280 : i32
    %dma_wait3A_640 = tpu.memref_slice %arg7[%dma_wait3A_639] : memref<2560xi32, #tpu.memory_space<vmem>> -> memref<128xi32, #tpu.memory_space<vmem>>
    %dma_wait3A_641 = arith.constant 0 : i32
    %dma_wait3A_642 = arith.constant 0 : i32
    %dma_wait3A_643 = tpu.memref_slice %arg4[%dma_wait3A_641, %dma_wait3A_642] : memref<1000000x32xf32, #tpu.memory_space<hbm>> -> memref<1000000x32xf32, #tpu.memory_space<hbm>>
    tpu.wait_indirect_dma semaphore(%arg11 : memref<!tpu.dma_semaphore, #tpu.memory_space<semaphore_mem>>) src(%dma_wait3A_643 : memref<1000000x32xf32, #tpu.memory_space<hbm>>) dst(%dma_wait3A_638 : memref<128x32xf32, #tpu.memory_space<vmem>>)
    %dma_wait3A_644 = arith.constant 1408 : i32
    %dma_wait3A_645 = arith.constant 0 : i32
    %dma_wait3A_646 = tpu.memref_slice %arg8[%dma_wait3A_644, %dma_wait3A_645] : memref<2560x32xf32, #tpu.memory_space<vmem>> -> memref<128x32xf32, #tpu.memory_space<vmem>>
    %dma_wait3A_647 = arith.constant 1408 : i32
    %dma_wait3A_648 = tpu.memref_slice %arg7[%dma_wait3A_647] : memref<2560xi32, #tpu.memory_space<vmem>> -> memref<128xi32, #tpu.memory_space<vmem>>
    %dma_wait3A_649 = arith.constant 0 : i32
    %dma_wait3A_650 = arith.constant 0 : i32
    %dma_wait3A_651 = tpu.memref_slice %arg4[%dma_wait3A_649, %dma_wait3A_650] : memref<1000000x32xf32, #tpu.memory_space<hbm>> -> memref<1000000x32xf32, #tpu.memory_space<hbm>>
    tpu.wait_indirect_dma semaphore(%arg11 : memref<!tpu.dma_semaphore, #tpu.memory_space<semaphore_mem>>) src(%dma_wait3A_651 : memref<1000000x32xf32, #tpu.memory_space<hbm>>) dst(%dma_wait3A_646 : memref<128x32xf32, #tpu.memory_space<vmem>>)
    %dma_wait3A_652 = arith.constant 1536 : i32
    %dma_wait3A_653 = arith.constant 0 : i32
    %dma_wait3A_654 = tpu.memref_slice %arg8[%dma_wait3A_652, %dma_wait3A_653] : memref<2560x32xf32, #tpu.memory_space<vmem>> -> memref<128x32xf32, #tpu.memory_space<vmem>>
    %dma_wait3A_655 = arith.constant 1536 : i32
    %dma_wait3A_656 = tpu.memref_slice %arg7[%dma_wait3A_655] : memref<2560xi32, #tpu.memory_space<vmem>> -> memref<128xi32, #tpu.memory_space<vmem>>
    %dma_wait3A_657 = arith.constant 0 : i32
    %dma_wait3A_658 = arith.constant 0 : i32
    %dma_wait3A_659 = tpu.memref_slice %arg4[%dma_wait3A_657, %dma_wait3A_658] : memref<1000000x32xf32, #tpu.memory_space<hbm>> -> memref<1000000x32xf32, #tpu.memory_space<hbm>>
    tpu.wait_indirect_dma semaphore(%arg11 : memref<!tpu.dma_semaphore, #tpu.memory_space<semaphore_mem>>) src(%dma_wait3A_659 : memref<1000000x32xf32, #tpu.memory_space<hbm>>) dst(%dma_wait3A_654 : memref<128x32xf32, #tpu.memory_space<vmem>>)
    %dma_wait3A_660 = arith.constant 1664 : i32
    %dma_wait3A_661 = arith.constant 0 : i32
    %dma_wait3A_662 = tpu.memref_slice %arg8[%dma_wait3A_660, %dma_wait3A_661] : memref<2560x32xf32, #tpu.memory_space<vmem>> -> memref<128x32xf32, #tpu.memory_space<vmem>>
    %dma_wait3A_663 = arith.constant 1664 : i32
    %dma_wait3A_664 = tpu.memref_slice %arg7[%dma_wait3A_663] : memref<2560xi32, #tpu.memory_space<vmem>> -> memref<128xi32, #tpu.memory_space<vmem>>
    %dma_wait3A_665 = arith.constant 0 : i32
    %dma_wait3A_666 = arith.constant 0 : i32
    %dma_wait3A_667 = tpu.memref_slice %arg4[%dma_wait3A_665, %dma_wait3A_666] : memref<1000000x32xf32, #tpu.memory_space<hbm>> -> memref<1000000x32xf32, #tpu.memory_space<hbm>>
    tpu.wait_indirect_dma semaphore(%arg11 : memref<!tpu.dma_semaphore, #tpu.memory_space<semaphore_mem>>) src(%dma_wait3A_667 : memref<1000000x32xf32, #tpu.memory_space<hbm>>) dst(%dma_wait3A_662 : memref<128x32xf32, #tpu.memory_space<vmem>>)
    %dma_wait3A_668 = arith.constant 1792 : i32
    %dma_wait3A_669 = arith.constant 0 : i32
    %dma_wait3A_670 = tpu.memref_slice %arg8[%dma_wait3A_668, %dma_wait3A_669] : memref<2560x32xf32, #tpu.memory_space<vmem>> -> memref<128x32xf32, #tpu.memory_space<vmem>>
    %dma_wait3A_671 = arith.constant 1792 : i32
    %dma_wait3A_672 = tpu.memref_slice %arg7[%dma_wait3A_671] : memref<2560xi32, #tpu.memory_space<vmem>> -> memref<128xi32, #tpu.memory_space<vmem>>
    %dma_wait3A_673 = arith.constant 0 : i32
    %dma_wait3A_674 = arith.constant 0 : i32
    %dma_wait3A_675 = tpu.memref_slice %arg4[%dma_wait3A_673, %dma_wait3A_674] : memref<1000000x32xf32, #tpu.memory_space<hbm>> -> memref<1000000x32xf32, #tpu.memory_space<hbm>>
    tpu.wait_indirect_dma semaphore(%arg11 : memref<!tpu.dma_semaphore, #tpu.memory_space<semaphore_mem>>) src(%dma_wait3A_675 : memref<1000000x32xf32, #tpu.memory_space<hbm>>) dst(%dma_wait3A_670 : memref<128x32xf32, #tpu.memory_space<vmem>>)
    %dma_wait3A_676 = arith.constant 1920 : i32
    %dma_wait3A_677 = arith.constant 0 : i32
    %dma_wait3A_678 = tpu.memref_slice %arg8[%dma_wait3A_676, %dma_wait3A_677] : memref<2560x32xf32, #tpu.memory_space<vmem>> -> memref<128x32xf32, #tpu.memory_space<vmem>>
    %dma_wait3A_679 = arith.constant 1920 : i32
    %dma_wait3A_680 = tpu.memref_slice %arg7[%dma_wait3A_679] : memref<2560xi32, #tpu.memory_space<vmem>> -> memref<128xi32, #tpu.memory_space<vmem>>
    %dma_wait3A_681 = arith.constant 0 : i32
    %dma_wait3A_682 = arith.constant 0 : i32
    %dma_wait3A_683 = tpu.memref_slice %arg4[%dma_wait3A_681, %dma_wait3A_682] : memref<1000000x32xf32, #tpu.memory_space<hbm>> -> memref<1000000x32xf32, #tpu.memory_space<hbm>>
    tpu.wait_indirect_dma semaphore(%arg11 : memref<!tpu.dma_semaphore, #tpu.memory_space<semaphore_mem>>) src(%dma_wait3A_683 : memref<1000000x32xf32, #tpu.memory_space<hbm>>) dst(%dma_wait3A_678 : memref<128x32xf32, #tpu.memory_space<vmem>>)
    %dma_wait3A_684 = arith.constant 2048 : i32
    %dma_wait3A_685 = arith.constant 0 : i32
    %dma_wait3A_686 = tpu.memref_slice %arg8[%dma_wait3A_684, %dma_wait3A_685] : memref<2560x32xf32, #tpu.memory_space<vmem>> -> memref<128x32xf32, #tpu.memory_space<vmem>>
    %dma_wait3A_687 = arith.constant 2048 : i32
    %dma_wait3A_688 = tpu.memref_slice %arg7[%dma_wait3A_687] : memref<2560xi32, #tpu.memory_space<vmem>> -> memref<128xi32, #tpu.memory_space<vmem>>
    %dma_wait3A_689 = arith.constant 0 : i32
    %dma_wait3A_690 = arith.constant 0 : i32
    %dma_wait3A_691 = tpu.memref_slice %arg4[%dma_wait3A_689, %dma_wait3A_690] : memref<1000000x32xf32, #tpu.memory_space<hbm>> -> memref<1000000x32xf32, #tpu.memory_space<hbm>>
    tpu.wait_indirect_dma semaphore(%arg11 : memref<!tpu.dma_semaphore, #tpu.memory_space<semaphore_mem>>) src(%dma_wait3A_691 : memref<1000000x32xf32, #tpu.memory_space<hbm>>) dst(%dma_wait3A_686 : memref<128x32xf32, #tpu.memory_space<vmem>>)
    %dma_wait3A_692 = arith.constant 2176 : i32
    %dma_wait3A_693 = arith.constant 0 : i32
    %dma_wait3A_694 = tpu.memref_slice %arg8[%dma_wait3A_692, %dma_wait3A_693] : memref<2560x32xf32, #tpu.memory_space<vmem>> -> memref<128x32xf32, #tpu.memory_space<vmem>>
    %dma_wait3A_695 = arith.constant 2176 : i32
    %dma_wait3A_696 = tpu.memref_slice %arg7[%dma_wait3A_695] : memref<2560xi32, #tpu.memory_space<vmem>> -> memref<128xi32, #tpu.memory_space<vmem>>
    %dma_wait3A_697 = arith.constant 0 : i32
    %dma_wait3A_698 = arith.constant 0 : i32
    %dma_wait3A_699 = tpu.memref_slice %arg4[%dma_wait3A_697, %dma_wait3A_698] : memref<1000000x32xf32, #tpu.memory_space<hbm>> -> memref<1000000x32xf32, #tpu.memory_space<hbm>>
    tpu.wait_indirect_dma semaphore(%arg11 : memref<!tpu.dma_semaphore, #tpu.memory_space<semaphore_mem>>) src(%dma_wait3A_699 : memref<1000000x32xf32, #tpu.memory_space<hbm>>) dst(%dma_wait3A_694 : memref<128x32xf32, #tpu.memory_space<vmem>>)
    %dma_wait3A_700 = arith.constant 2304 : i32
    %dma_wait3A_701 = arith.constant 0 : i32
    %dma_wait3A_702 = tpu.memref_slice %arg8[%dma_wait3A_700, %dma_wait3A_701] : memref<2560x32xf32, #tpu.memory_space<vmem>> -> memref<128x32xf32, #tpu.memory_space<vmem>>
    %dma_wait3A_703 = arith.constant 2304 : i32
    %dma_wait3A_704 = tpu.memref_slice %arg7[%dma_wait3A_703] : memref<2560xi32, #tpu.memory_space<vmem>> -> memref<128xi32, #tpu.memory_space<vmem>>
    %dma_wait3A_705 = arith.constant 0 : i32
    %dma_wait3A_706 = arith.constant 0 : i32
    %dma_wait3A_707 = tpu.memref_slice %arg4[%dma_wait3A_705, %dma_wait3A_706] : memref<1000000x32xf32, #tpu.memory_space<hbm>> -> memref<1000000x32xf32, #tpu.memory_space<hbm>>
    tpu.wait_indirect_dma semaphore(%arg11 : memref<!tpu.dma_semaphore, #tpu.memory_space<semaphore_mem>>) src(%dma_wait3A_707 : memref<1000000x32xf32, #tpu.memory_space<hbm>>) dst(%dma_wait3A_702 : memref<128x32xf32, #tpu.memory_space<vmem>>)
    %dma_wait3A_708 = arith.constant 2432 : i32
    %dma_wait3A_709 = arith.constant 0 : i32
    %dma_wait3A_710 = tpu.memref_slice %arg8[%dma_wait3A_708, %dma_wait3A_709] : memref<2560x32xf32, #tpu.memory_space<vmem>> -> memref<128x32xf32, #tpu.memory_space<vmem>>
    %dma_wait3A_711 = arith.constant 2432 : i32
    %dma_wait3A_712 = tpu.memref_slice %arg7[%dma_wait3A_711] : memref<2560xi32, #tpu.memory_space<vmem>> -> memref<128xi32, #tpu.memory_space<vmem>>
    %dma_wait3A_713 = arith.constant 0 : i32
    %dma_wait3A_714 = arith.constant 0 : i32
    %dma_wait3A_715 = tpu.memref_slice %arg4[%dma_wait3A_713, %dma_wait3A_714] : memref<1000000x32xf32, #tpu.memory_space<hbm>> -> memref<1000000x32xf32, #tpu.memory_space<hbm>>
    tpu.wait_indirect_dma semaphore(%arg11 : memref<!tpu.dma_semaphore, #tpu.memory_space<semaphore_mem>>) src(%dma_wait3A_715 : memref<1000000x32xf32, #tpu.memory_space<hbm>>) dst(%dma_wait3A_710 : memref<128x32xf32, #tpu.memory_space<vmem>>)
    %get3A_716 = arith.constant 320 : index
    %get3A_717 = tpu.vector_load %arg10[%get3A_716] {strides = array<i32>} : memref<640xf32, #tpu.memory_space<vmem>>, vector<16xf32>,
    %get3A_718 = vector.shape_cast %get3A_717 : vector<16xf32> to vector<16xf32>
    %get3A_719 = arith.constant 336 : index
    %get3A_720 = tpu.vector_load %arg10[%get3A_719] {strides = array<i32>} : memref<640xf32, #tpu.memory_space<vmem>>, vector<16xf32>,
    %get3A_721 = vector.shape_cast %get3A_720 : vector<16xf32> to vector<16xf32>
    %get3A_722 = arith.constant 352 : index
    %get3A_723 = tpu.vector_load %arg10[%get3A_722] {strides = array<i32>} : memref<640xf32, #tpu.memory_space<vmem>>, vector<16xf32>,
    %get3A_724 = vector.shape_cast %get3A_723 : vector<16xf32> to vector<16xf32>
    %get3A_725 = arith.constant 368 : index
    %get3A_726 = tpu.vector_load %arg10[%get3A_725] {strides = array<i32>} : memref<640xf32, #tpu.memory_space<vmem>>, vector<16xf32>,
    %get3A_727 = vector.shape_cast %get3A_726 : vector<16xf32> to vector<16xf32>
    %get3A_728 = arith.constant 384 : index
    %get3A_729 = tpu.vector_load %arg10[%get3A_728] {strides = array<i32>} : memref<640xf32, #tpu.memory_space<vmem>>, vector<16xf32>,
    %get3A_730 = vector.shape_cast %get3A_729 : vector<16xf32> to vector<16xf32>
    %get3A_731 = arith.constant 400 : index
    %get3A_732 = tpu.vector_load %arg10[%get3A_731] {strides = array<i32>} : memref<640xf32, #tpu.memory_space<vmem>>, vector<16xf32>,
    %get3A_733 = vector.shape_cast %get3A_732 : vector<16xf32> to vector<16xf32>
    %get3A_734 = arith.constant 416 : index
    %get3A_735 = tpu.vector_load %arg10[%get3A_734] {strides = array<i32>} : memref<640xf32, #tpu.memory_space<vmem>>, vector<16xf32>,
    %get3A_736 = vector.shape_cast %get3A_735 : vector<16xf32> to vector<16xf32>
    %get3A_737 = arith.constant 432 : index
    %get3A_738 = tpu.vector_load %arg10[%get3A_737] {strides = array<i32>} : memref<640xf32, #tpu.memory_space<vmem>>, vector<16xf32>,
    %get3A_739 = vector.shape_cast %get3A_738 : vector<16xf32> to vector<16xf32>
    %get3A_740 = arith.constant 448 : index
    %get3A_741 = tpu.vector_load %arg10[%get3A_740] {strides = array<i32>} : memref<640xf32, #tpu.memory_space<vmem>>, vector<16xf32>,
    %get3A_742 = vector.shape_cast %get3A_741 : vector<16xf32> to vector<16xf32>
    %get3A_743 = arith.constant 464 : index
    %get3A_744 = tpu.vector_load %arg10[%get3A_743] {strides = array<i32>} : memref<640xf32, #tpu.memory_space<vmem>>, vector<16xf32>,
    %get3A_745 = vector.shape_cast %get3A_744 : vector<16xf32> to vector<16xf32>
    %get3A_746 = arith.constant 480 : index
    %get3A_747 = tpu.vector_load %arg10[%get3A_746] {strides = array<i32>} : memref<640xf32, #tpu.memory_space<vmem>>, vector<16xf32>,
    %get3A_748 = vector.shape_cast %get3A_747 : vector<16xf32> to vector<16xf32>
    %get3A_749 = arith.constant 496 : index
    %get3A_750 = tpu.vector_load %arg10[%get3A_749] {strides = array<i32>} : memref<640xf32, #tpu.memory_space<vmem>>, vector<16xf32>,
    %get3A_751 = vector.shape_cast %get3A_750 : vector<16xf32> to vector<16xf32>
    %get3A_752 = arith.constant 512 : index
    %get3A_753 = tpu.vector_load %arg10[%get3A_752] {strides = array<i32>} : memref<640xf32, #tpu.memory_space<vmem>>, vector<16xf32>,
    %get3A_754 = vector.shape_cast %get3A_753 : vector<16xf32> to vector<16xf32>
    %get3A_755 = arith.constant 528 : index
    %get3A_756 = tpu.vector_load %arg10[%get3A_755] {strides = array<i32>} : memref<640xf32, #tpu.memory_space<vmem>>, vector<16xf32>,
    %get3A_757 = vector.shape_cast %get3A_756 : vector<16xf32> to vector<16xf32>
    %get3A_758 = arith.constant 544 : index
    %get3A_759 = tpu.vector_load %arg10[%get3A_758] {strides = array<i32>} : memref<640xf32, #tpu.memory_space<vmem>>, vector<16xf32>,
    %get3A_760 = vector.shape_cast %get3A_759 : vector<16xf32> to vector<16xf32>
    %get3A_761 = arith.constant 560 : index
    %get3A_762 = tpu.vector_load %arg10[%get3A_761] {strides = array<i32>} : memref<640xf32, #tpu.memory_space<vmem>>, vector<16xf32>,
    %get3A_763 = vector.shape_cast %get3A_762 : vector<16xf32> to vector<16xf32>
    %get3A_764 = arith.constant 576 : index
    %get3A_765 = tpu.vector_load %arg10[%get3A_764] {strides = array<i32>} : memref<640xf32, #tpu.memory_space<vmem>>, vector<16xf32>,
    %get3A_766 = vector.shape_cast %get3A_765 : vector<16xf32> to vector<16xf32>
    %get3A_767 = arith.constant 592 : index
    %get3A_768 = tpu.vector_load %arg10[%get3A_767] {strides = array<i32>} : memref<640xf32, #tpu.memory_space<vmem>>, vector<16xf32>,
    %get3A_769 = vector.shape_cast %get3A_768 : vector<16xf32> to vector<16xf32>
    %get3A_770 = arith.constant 608 : index
    %get3A_771 = tpu.vector_load %arg10[%get3A_770] {strides = array<i32>} : memref<640xf32, #tpu.memory_space<vmem>>, vector<16xf32>,
    %get3A_772 = vector.shape_cast %get3A_771 : vector<16xf32> to vector<16xf32>
    %get3A_773 = arith.constant 624 : index
    %get3A_774 = tpu.vector_load %arg10[%get3A_773] {strides = array<i32>} : memref<640xf32, #tpu.memory_space<vmem>>, vector<16xf32>,
    %get3A_775 = vector.shape_cast %get3A_774 : vector<16xf32> to vector<16xf32>
    %scan3A_776 = arith.constant 0 : i32
    %scan3A_777 = arith.constant 128 : i32
    %scan3A_778 = arith.addi %scan3A_776, %scan3A_777 : i32
    %scan3A_779 = arith.constant 1 : i32
    scf.for %scan3A_785 = %scan3A_776 to %scan3A_778 step %scan3A_779  : i32 {
      %mul3A_786 = arith.constant 20 : i32
      %mul3A_787 = arith.muli %scan3A_785, %mul3A_786 : i32
      %get3A_788 = arith.index_cast %mul3A_787 : i32 to index
      %get3A_789 = arith.constant 0 : index
      %get3A_790 = tpu.vector_load %arg8[%get3A_788, %get3A_789] {strides = array<i32>} : memref<2560x32xf32, #tpu.memory_space<vmem>>, vector<1x16xf32>,
      %get3A_791 = vector.shape_cast %get3A_790 : vector<1x16xf32> to vector<16xf32>
      %mul3A_792 = arith.mulf %get3A_718, %get3A_791 : vector<16xf32>
      %get3A_793 = arith.index_cast %mul3A_787 : i32 to index
      %get3A_794 = arith.constant 16 : index
      %get3A_795 = tpu.vector_load %arg8[%get3A_793, %get3A_794] {strides = array<i32>} : memref<2560x32xf32, #tpu.memory_space<vmem>>, vector<1x16xf32>,
      %get3A_796 = vector.shape_cast %get3A_795 : vector<1x16xf32> to vector<16xf32>
      %mul3A_797 = arith.mulf %get3A_718, %get3A_796 : vector<16xf32>
      %add3A_798 = arith.constant 1 : i32
      %add3A_799 = arith.addi %mul3A_787, %add3A_798 : i32
      %get3A_800 = arith.index_cast %add3A_799 : i32 to index
      %get3A_801 = arith.constant 0 : index
      %get3A_802 = tpu.vector_load %arg8[%get3A_800, %get3A_801] {strides = array<i32>} : memref<2560x32xf32, #tpu.memory_space<vmem>>, vector<1x16xf32>,
      %get3A_803 = vector.shape_cast %get3A_802 : vector<1x16xf32> to vector<16xf32>
      %mul3A_804 = arith.mulf %get3A_721, %get3A_803 : vector<16xf32>
      %add3A_805 = arith.constant 1 : i32
      %add3A_806 = arith.addi %mul3A_787, %add3A_805 : i32
      %get3A_807 = arith.index_cast %add3A_806 : i32 to index
      %get3A_808 = arith.constant 16 : index
      %get3A_809 = tpu.vector_load %arg8[%get3A_807, %get3A_808] {strides = array<i32>} : memref<2560x32xf32, #tpu.memory_space<vmem>>, vector<1x16xf32>,
      %get3A_810 = vector.shape_cast %get3A_809 : vector<1x16xf32> to vector<16xf32>
      %mul3A_811 = arith.mulf %get3A_721, %get3A_810 : vector<16xf32>
      %add3A_812 = arith.constant 2 : i32
      %add3A_813 = arith.addi %mul3A_787, %add3A_812 : i32
      %get3A_814 = arith.index_cast %add3A_813 : i32 to index
      %get3A_815 = arith.constant 0 : index
      %get3A_816 = tpu.vector_load %arg8[%get3A_814, %get3A_815] {strides = array<i32>} : memref<2560x32xf32, #tpu.memory_space<vmem>>, vector<1x16xf32>,
      %get3A_817 = vector.shape_cast %get3A_816 : vector<1x16xf32> to vector<16xf32>
      %mul3A_818 = arith.mulf %get3A_724, %get3A_817 : vector<16xf32>
      %add3A_819 = arith.addf %mul3A_792, %mul3A_818 : vector<16xf32>
      %add3A_820 = arith.constant 2 : i32
      %add3A_821 = arith.addi %mul3A_787, %add3A_820 : i32
      %get3A_822 = arith.index_cast %add3A_821 : i32 to index
      %get3A_823 = arith.constant 16 : index
      %get3A_824 = tpu.vector_load %arg8[%get3A_822, %get3A_823] {strides = array<i32>} : memref<2560x32xf32, #tpu.memory_space<vmem>>, vector<1x16xf32>,
      %get3A_825 = vector.shape_cast %get3A_824 : vector<1x16xf32> to vector<16xf32>
      %mul3A_826 = arith.mulf %get3A_724, %get3A_825 : vector<16xf32>
      %add3A_827 = arith.addf %mul3A_797, %mul3A_826 : vector<16xf32>
      %add3A_828 = arith.constant 2 : i32
      %add3A_829 = arith.addi %mul3A_787, %add3A_828 : i32
      %add3A_830 = arith.constant 1 : i32
      %add3A_831 = arith.addi %add3A_829, %add3A_830 : i32
      %get3A_832 = arith.index_cast %add3A_831 : i32 to index
      %get3A_833 = arith.constant 0 : index
      %get3A_834 = tpu.vector_load %arg8[%get3A_832, %get3A_833] {strides = array<i32>} : memref<2560x32xf32, #tpu.memory_space<vmem>>, vector<1x16xf32>,
      %get3A_835 = vector.shape_cast %get3A_834 : vector<1x16xf32> to vector<16xf32>
      %mul3A_836 = arith.mulf %get3A_727, %get3A_835 : vector<16xf32>
      %add3A_837 = arith.addf %mul3A_804, %mul3A_836 : vector<16xf32>
      %add3A_838 = arith.constant 2 : i32
      %add3A_839 = arith.addi %mul3A_787, %add3A_838 : i32
      %add3A_840 = arith.constant 1 : i32
      %add3A_841 = arith.addi %add3A_839, %add3A_840 : i32
      %get3A_842 = arith.index_cast %add3A_841 : i32 to index
      %get3A_843 = arith.constant 16 : index
      %get3A_844 = tpu.vector_load %arg8[%get3A_842, %get3A_843] {strides = array<i32>} : memref<2560x32xf32, #tpu.memory_space<vmem>>, vector<1x16xf32>,
      %get3A_845 = vector.shape_cast %get3A_844 : vector<1x16xf32> to vector<16xf32>
      %mul3A_846 = arith.mulf %get3A_727, %get3A_845 : vector<16xf32>
      %add3A_847 = arith.addf %mul3A_811, %mul3A_846 : vector<16xf32>
      %add3A_848 = arith.constant 4 : i32
      %add3A_849 = arith.addi %mul3A_787, %add3A_848 : i32
      %get3A_850 = arith.index_cast %add3A_849 : i32 to index
      %get3A_851 = arith.constant 0 : index
      %get3A_852 = tpu.vector_load %arg8[%get3A_850, %get3A_851] {strides = array<i32>} : memref<2560x32xf32, #tpu.memory_space<vmem>>, vector<1x16xf32>,
      %get3A_853 = vector.shape_cast %get3A_852 : vector<1x16xf32> to vector<16xf32>
      %mul3A_854 = arith.mulf %get3A_730, %get3A_853 : vector<16xf32>
      %add3A_855 = arith.addf %add3A_819, %mul3A_854 : vector<16xf32>
      %add3A_856 = arith.constant 4 : i32
      %add3A_857 = arith.addi %mul3A_787, %add3A_856 : i32
      %get3A_858 = arith.index_cast %add3A_857 : i32 to index
      %get3A_859 = arith.constant 16 : index
      %get3A_860 = tpu.vector_load %arg8[%get3A_858, %get3A_859] {strides = array<i32>} : memref<2560x32xf32, #tpu.memory_space<vmem>>, vector<1x16xf32>,
      %get3A_861 = vector.shape_cast %get3A_860 : vector<1x16xf32> to vector<16xf32>
      %mul3A_862 = arith.mulf %get3A_730, %get3A_861 : vector<16xf32>
      %add3A_863 = arith.addf %add3A_827, %mul3A_862 : vector<16xf32>
      %add3A_864 = arith.constant 4 : i32
      %add3A_865 = arith.addi %mul3A_787, %add3A_864 : i32
      %add3A_866 = arith.constant 1 : i32
      %add3A_867 = arith.addi %add3A_865, %add3A_866 : i32
      %get3A_868 = arith.index_cast %add3A_867 : i32 to index
      %get3A_869 = arith.constant 0 : index
      %get3A_870 = tpu.vector_load %arg8[%get3A_868, %get3A_869] {strides = array<i32>} : memref<2560x32xf32, #tpu.memory_space<vmem>>, vector<1x16xf32>,
      %get3A_871 = vector.shape_cast %get3A_870 : vector<1x16xf32> to vector<16xf32>
      %mul3A_872 = arith.mulf %get3A_733, %get3A_871 : vector<16xf32>
      %add3A_873 = arith.addf %add3A_837, %mul3A_872 : vector<16xf32>
      %add3A_874 = arith.constant 4 : i32
      %add3A_875 = arith.addi %mul3A_787, %add3A_874 : i32
      %add3A_876 = arith.constant 1 : i32
      %add3A_877 = arith.addi %add3A_875, %add3A_876 : i32
      %get3A_878 = arith.index_cast %add3A_877 : i32 to index
      %get3A_879 = arith.constant 16 : index
      %get3A_880 = tpu.vector_load %arg8[%get3A_878, %get3A_879] {strides = array<i32>} : memref<2560x32xf32, #tpu.memory_space<vmem>>, vector<1x16xf32>,
      %get3A_881 = vector.shape_cast %get3A_880 : vector<1x16xf32> to vector<16xf32>
      %mul3A_882 = arith.mulf %get3A_733, %get3A_881 : vector<16xf32>
      %add3A_883 = arith.addf %add3A_847, %mul3A_882 : vector<16xf32>
      %add3A_884 = arith.constant 6 : i32
      %add3A_885 = arith.addi %mul3A_787, %add3A_884 : i32
      %get3A_886 = arith.index_cast %add3A_885 : i32 to index
      %get3A_887 = arith.constant 0 : index
      %get3A_888 = tpu.vector_load %arg8[%get3A_886, %get3A_887] {strides = array<i32>} : memref<2560x32xf32, #tpu.memory_space<vmem>>, vector<1x16xf32>,
      %get3A_889 = vector.shape_cast %get3A_888 : vector<1x16xf32> to vector<16xf32>
      %mul3A_890 = arith.mulf %get3A_736, %get3A_889 : vector<16xf32>
      %add3A_891 = arith.addf %add3A_855, %mul3A_890 : vector<16xf32>
      %add3A_892 = arith.constant 6 : i32
      %add3A_893 = arith.addi %mul3A_787, %add3A_892 : i32
      %get3A_894 = arith.index_cast %add3A_893 : i32 to index
      %get3A_895 = arith.constant 16 : index
      %get3A_896 = tpu.vector_load %arg8[%get3A_894, %get3A_895] {strides = array<i32>} : memref<2560x32xf32, #tpu.memory_space<vmem>>, vector<1x16xf32>,
      %get3A_897 = vector.shape_cast %get3A_896 : vector<1x16xf32> to vector<16xf32>
      %mul3A_898 = arith.mulf %get3A_736, %get3A_897 : vector<16xf32>
      %add3A_899 = arith.addf %add3A_863, %mul3A_898 : vector<16xf32>
      %add3A_900 = arith.constant 6 : i32
      %add3A_901 = arith.addi %mul3A_787, %add3A_900 : i32
      %add3A_902 = arith.constant 1 : i32
      %add3A_903 = arith.addi %add3A_901, %add3A_902 : i32
      %get3A_904 = arith.index_cast %add3A_903 : i32 to index
      %get3A_905 = arith.constant 0 : index
      %get3A_906 = tpu.vector_load %arg8[%get3A_904, %get3A_905] {strides = array<i32>} : memref<2560x32xf32, #tpu.memory_space<vmem>>, vector<1x16xf32>,
      %get3A_907 = vector.shape_cast %get3A_906 : vector<1x16xf32> to vector<16xf32>
      %mul3A_908 = arith.mulf %get3A_739, %get3A_907 : vector<16xf32>
      %add3A_909 = arith.addf %add3A_873, %mul3A_908 : vector<16xf32>
      %add3A_910 = arith.constant 6 : i32
      %add3A_911 = arith.addi %mul3A_787, %add3A_910 : i32
      %add3A_912 = arith.constant 1 : i32
      %add3A_913 = arith.addi %add3A_911, %add3A_912 : i32
      %get3A_914 = arith.index_cast %add3A_913 : i32 to index
      %get3A_915 = arith.constant 16 : index
      %get3A_916 = tpu.vector_load %arg8[%get3A_914, %get3A_915] {strides = array<i32>} : memref<2560x32xf32, #tpu.memory_space<vmem>>, vector<1x16xf32>,
      %get3A_917 = vector.shape_cast %get3A_916 : vector<1x16xf32> to vector<16xf32>
      %mul3A_918 = arith.mulf %get3A_739, %get3A_917 : vector<16xf32>
      %add3A_919 = arith.addf %add3A_883, %mul3A_918 : vector<16xf32>
      %add3A_920 = arith.constant 8 : i32
      %add3A_921 = arith.addi %mul3A_787, %add3A_920 : i32
      %get3A_922 = arith.index_cast %add3A_921 : i32 to index
      %get3A_923 = arith.constant 0 : index
      %get3A_924 = tpu.vector_load %arg8[%get3A_922, %get3A_923] {strides = array<i32>} : memref<2560x32xf32, #tpu.memory_space<vmem>>, vector<1x16xf32>,
      %get3A_925 = vector.shape_cast %get3A_924 : vector<1x16xf32> to vector<16xf32>
      %mul3A_926 = arith.mulf %get3A_742, %get3A_925 : vector<16xf32>
      %add3A_927 = arith.addf %add3A_891, %mul3A_926 : vector<16xf32>
      %add3A_928 = arith.constant 8 : i32
      %add3A_929 = arith.addi %mul3A_787, %add3A_928 : i32
      %get3A_930 = arith.index_cast %add3A_929 : i32 to index
      %get3A_931 = arith.constant 16 : index
      %get3A_932 = tpu.vector_load %arg8[%get3A_930, %get3A_931] {strides = array<i32>} : memref<2560x32xf32, #tpu.memory_space<vmem>>, vector<1x16xf32>,
      %get3A_933 = vector.shape_cast %get3A_932 : vector<1x16xf32> to vector<16xf32>
      %mul3A_934 = arith.mulf %get3A_742, %get3A_933 : vector<16xf32>
      %add3A_935 = arith.addf %add3A_899, %mul3A_934 : vector<16xf32>
      %add3A_936 = arith.constant 8 : i32
      %add3A_937 = arith.addi %mul3A_787, %add3A_936 : i32
      %add3A_938 = arith.constant 1 : i32
      %add3A_939 = arith.addi %add3A_937, %add3A_938 : i32
      %get3A_940 = arith.index_cast %add3A_939 : i32 to index
      %get3A_941 = arith.constant 0 : index
      %get3A_942 = tpu.vector_load %arg8[%get3A_940, %get3A_941] {strides = array<i32>} : memref<2560x32xf32, #tpu.memory_space<vmem>>, vector<1x16xf32>,
      %get3A_943 = vector.shape_cast %get3A_942 : vector<1x16xf32> to vector<16xf32>
      %mul3A_944 = arith.mulf %get3A_745, %get3A_943 : vector<16xf32>
      %add3A_945 = arith.addf %add3A_909, %mul3A_944 : vector<16xf32>
      %add3A_946 = arith.constant 8 : i32
      %add3A_947 = arith.addi %mul3A_787, %add3A_946 : i32
      %add3A_948 = arith.constant 1 : i32
      %add3A_949 = arith.addi %add3A_947, %add3A_948 : i32
      %get3A_950 = arith.index_cast %add3A_949 : i32 to index
      %get3A_951 = arith.constant 16 : index
      %get3A_952 = tpu.vector_load %arg8[%get3A_950, %get3A_951] {strides = array<i32>} : memref<2560x32xf32, #tpu.memory_space<vmem>>, vector<1x16xf32>,
      %get3A_953 = vector.shape_cast %get3A_952 : vector<1x16xf32> to vector<16xf32>
      %mul3A_954 = arith.mulf %get3A_745, %get3A_953 : vector<16xf32>
      %add3A_955 = arith.addf %add3A_919, %mul3A_954 : vector<16xf32>
      %add3A_956 = arith.constant 10 : i32
      %add3A_957 = arith.addi %mul3A_787, %add3A_956 : i32
      %get3A_958 = arith.index_cast %add3A_957 : i32 to index
      %get3A_959 = arith.constant 0 : index
      %get3A_960 = tpu.vector_load %arg8[%get3A_958, %get3A_959] {strides = array<i32>} : memref<2560x32xf32, #tpu.memory_space<vmem>>, vector<1x16xf32>,
      %get3A_961 = vector.shape_cast %get3A_960 : vector<1x16xf32> to vector<16xf32>
      %mul3A_962 = arith.mulf %get3A_748, %get3A_961 : vector<16xf32>
      %add3A_963 = arith.addf %add3A_927, %mul3A_962 : vector<16xf32>
      %add3A_964 = arith.constant 10 : i32
      %add3A_965 = arith.addi %mul3A_787, %add3A_964 : i32
      %get3A_966 = arith.index_cast %add3A_965 : i32 to index
      %get3A_967 = arith.constant 16 : index
      %get3A_968 = tpu.vector_load %arg8[%get3A_966, %get3A_967] {strides = array<i32>} : memref<2560x32xf32, #tpu.memory_space<vmem>>, vector<1x16xf32>,
      %get3A_969 = vector.shape_cast %get3A_968 : vector<1x16xf32> to vector<16xf32>
      %mul3A_970 = arith.mulf %get3A_748, %get3A_969 : vector<16xf32>
      %add3A_971 = arith.addf %add3A_935, %mul3A_970 : vector<16xf32>
      %add3A_972 = arith.constant 10 : i32
      %add3A_973 = arith.addi %mul3A_787, %add3A_972 : i32
      %add3A_974 = arith.constant 1 : i32
      %add3A_975 = arith.addi %add3A_973, %add3A_974 : i32
      %get3A_976 = arith.index_cast %add3A_975 : i32 to index
      %get3A_977 = arith.constant 0 : index
      %get3A_978 = tpu.vector_load %arg8[%get3A_976, %get3A_977] {strides = array<i32>} : memref<2560x32xf32, #tpu.memory_space<vmem>>, vector<1x16xf32>,
      %get3A_979 = vector.shape_cast %get3A_978 : vector<1x16xf32> to vector<16xf32>
      %mul3A_980 = arith.mulf %get3A_751, %get3A_979 : vector<16xf32>
      %add3A_981 = arith.addf %add3A_945, %mul3A_980 : vector<16xf32>
      %add3A_982 = arith.constant 10 : i32
      %add3A_983 = arith.addi %mul3A_787, %add3A_982 : i32
      %add3A_984 = arith.constant 1 : i32
      %add3A_985 = arith.addi %add3A_983, %add3A_984 : i32
      %get3A_986 = arith.index_cast %add3A_985 : i32 to index
      %get3A_987 = arith.constant 16 : index
      %get3A_988 = tpu.vector_load %arg8[%get3A_986, %get3A_987] {strides = array<i32>} : memref<2560x32xf32, #tpu.memory_space<vmem>>, vector<1x16xf32>,
      %get3A_989 = vector.shape_cast %get3A_988 : vector<1x16xf32> to vector<16xf32>
      %mul3A_990 = arith.mulf %get3A_751, %get3A_989 : vector<16xf32>
      %add3A_991 = arith.addf %add3A_955, %mul3A_990 : vector<16xf32>
      %add3A_992 = arith.constant 12 : i32
      %add3A_993 = arith.addi %mul3A_787, %add3A_992 : i32
      %get3A_994 = arith.index_cast %add3A_993 : i32 to index
      %get3A_995 = arith.constant 0 : index
      %get3A_996 = tpu.vector_load %arg8[%get3A_994, %get3A_995] {strides = array<i32>} : memref<2560x32xf32, #tpu.memory_space<vmem>>, vector<1x16xf32>,
      %get3A_997 = vector.shape_cast %get3A_996 : vector<1x16xf32> to vector<16xf32>
      %mul3A_998 = arith.mulf %get3A_754, %get3A_997 : vector<16xf32>
      %add3A_999 = arith.addf %add3A_963, %mul3A_998 : vector<16xf32>
      %add3A_1000 = arith.constant 12 : i32
      %add3A_1001 = arith.addi %mul3A_787, %add3A_1000 : i32
      %get3A_1002 = arith.index_cast %add3A_1001 : i32 to index
      %get3A_1003 = arith.constant 16 : index
      %get3A_1004 = tpu.vector_load %arg8[%get3A_1002, %get3A_1003] {strides = array<i32>} : memref<2560x32xf32, #tpu.memory_space<vmem>>, vector<1x16xf32>,
      %get3A_1005 = vector.shape_cast %get3A_1004 : vector<1x16xf32> to vector<16xf32>
      %mul3A_1006 = arith.mulf %get3A_754, %get3A_1005 : vector<16xf32>
      %add3A_1007 = arith.addf %add3A_971, %mul3A_1006 : vector<16xf32>
      %add3A_1008 = arith.constant 12 : i32
      %add3A_1009 = arith.addi %mul3A_787, %add3A_1008 : i32
      %add3A_1010 = arith.constant 1 : i32
      %add3A_1011 = arith.addi %add3A_1009, %add3A_1010 : i32
      %get3A_1012 = arith.index_cast %add3A_1011 : i32 to index
      %get3A_1013 = arith.constant 0 : index
      %get3A_1014 = tpu.vector_load %arg8[%get3A_1012, %get3A_1013] {strides = array<i32>} : memref<2560x32xf32, #tpu.memory_space<vmem>>, vector<1x16xf32>,
      %get3A_1015 = vector.shape_cast %get3A_1014 : vector<1x16xf32> to vector<16xf32>
      %mul3A_1016 = arith.mulf %get3A_757, %get3A_1015 : vector<16xf32>
      %add3A_1017 = arith.addf %add3A_981, %mul3A_1016 : vector<16xf32>
      %add3A_1018 = arith.constant 12 : i32
      %add3A_1019 = arith.addi %mul3A_787, %add3A_1018 : i32
      %add3A_1020 = arith.constant 1 : i32
      %add3A_1021 = arith.addi %add3A_1019, %add3A_1020 : i32
      %get3A_1022 = arith.index_cast %add3A_1021 : i32 to index
      %get3A_1023 = arith.constant 16 : index
      %get3A_1024 = tpu.vector_load %arg8[%get3A_1022, %get3A_1023] {strides = array<i32>} : memref<2560x32xf32, #tpu.memory_space<vmem>>, vector<1x16xf32>,
      %get3A_1025 = vector.shape_cast %get3A_1024 : vector<1x16xf32> to vector<16xf32>
      %mul3A_1026 = arith.mulf %get3A_757, %get3A_1025 : vector<16xf32>
      %add3A_1027 = arith.addf %add3A_991, %mul3A_1026 : vector<16xf32>
      %add3A_1028 = arith.constant 14 : i32
      %add3A_1029 = arith.addi %mul3A_787, %add3A_1028 : i32
      %get3A_1030 = arith.index_cast %add3A_1029 : i32 to index
      %get3A_1031 = arith.constant 0 : index
      %get3A_1032 = tpu.vector_load %arg8[%get3A_1030, %get3A_1031] {strides = array<i32>} : memref<2560x32xf32, #tpu.memory_space<vmem>>, vector<1x16xf32>,
      %get3A_1033 = vector.shape_cast %get3A_1032 : vector<1x16xf32> to vector<16xf32>
      %mul3A_1034 = arith.mulf %get3A_760, %get3A_1033 : vector<16xf32>
      %add3A_1035 = arith.addf %add3A_999, %mul3A_1034 : vector<16xf32>
      %add3A_1036 = arith.constant 14 : i32
      %add3A_1037 = arith.addi %mul3A_787, %add3A_1036 : i32
      %get3A_1038 = arith.index_cast %add3A_1037 : i32 to index
      %get3A_1039 = arith.constant 16 : index
      %get3A_1040 = tpu.vector_load %arg8[%get3A_1038, %get3A_1039] {strides = array<i32>} : memref<2560x32xf32, #tpu.memory_space<vmem>>, vector<1x16xf32>,
      %get3A_1041 = vector.shape_cast %get3A_1040 : vector<1x16xf32> to vector<16xf32>
      %mul3A_1042 = arith.mulf %get3A_760, %get3A_1041 : vector<16xf32>
      %add3A_1043 = arith.addf %add3A_1007, %mul3A_1042 : vector<16xf32>
      %add3A_1044 = arith.constant 14 : i32
      %add3A_1045 = arith.addi %mul3A_787, %add3A_1044 : i32
      %add3A_1046 = arith.constant 1 : i32
      %add3A_1047 = arith.addi %add3A_1045, %add3A_1046 : i32
      %get3A_1048 = arith.index_cast %add3A_1047 : i32 to index
      %get3A_1049 = arith.constant 0 : index
      %get3A_1050 = tpu.vector_load %arg8[%get3A_1048, %get3A_1049] {strides = array<i32>} : memref<2560x32xf32, #tpu.memory_space<vmem>>, vector<1x16xf32>,
      %get3A_1051 = vector.shape_cast %get3A_1050 : vector<1x16xf32> to vector<16xf32>
      %mul3A_1052 = arith.mulf %get3A_763, %get3A_1051 : vector<16xf32>
      %add3A_1053 = arith.addf %add3A_1017, %mul3A_1052 : vector<16xf32>
      %add3A_1054 = arith.constant 14 : i32
      %add3A_1055 = arith.addi %mul3A_787, %add3A_1054 : i32
      %add3A_1056 = arith.constant 1 : i32
      %add3A_1057 = arith.addi %add3A_1055, %add3A_1056 : i32
      %get3A_1058 = arith.index_cast %add3A_1057 : i32 to index
      %get3A_1059 = arith.constant 16 : index
      %get3A_1060 = tpu.vector_load %arg8[%get3A_1058, %get3A_1059] {strides = array<i32>} : memref<2560x32xf32, #tpu.memory_space<vmem>>, vector<1x16xf32>,
      %get3A_1061 = vector.shape_cast %get3A_1060 : vector<1x16xf32> to vector<16xf32>
      %mul3A_1062 = arith.mulf %get3A_763, %get3A_1061 : vector<16xf32>
      %add3A_1063 = arith.addf %add3A_1027, %mul3A_1062 : vector<16xf32>
      %add3A_1064 = arith.constant 16 : i32
      %add3A_1065 = arith.addi %mul3A_787, %add3A_1064 : i32
      %get3A_1066 = arith.index_cast %add3A_1065 : i32 to index
      %get3A_1067 = arith.constant 0 : index
      %get3A_1068 = tpu.vector_load %arg8[%get3A_1066, %get3A_1067] {strides = array<i32>} : memref<2560x32xf32, #tpu.memory_space<vmem>>, vector<1x16xf32>,
      %get3A_1069 = vector.shape_cast %get3A_1068 : vector<1x16xf32> to vector<16xf32>
      %mul3A_1070 = arith.mulf %get3A_766, %get3A_1069 : vector<16xf32>
      %add3A_1071 = arith.addf %add3A_1035, %mul3A_1070 : vector<16xf32>
      %add3A_1072 = arith.constant 16 : i32
      %add3A_1073 = arith.addi %mul3A_787, %add3A_1072 : i32
      %get3A_1074 = arith.index_cast %add3A_1073 : i32 to index
      %get3A_1075 = arith.constant 16 : index
      %get3A_1076 = tpu.vector_load %arg8[%get3A_1074, %get3A_1075] {strides = array<i32>} : memref<2560x32xf32, #tpu.memory_space<vmem>>, vector<1x16xf32>,
      %get3A_1077 = vector.shape_cast %get3A_1076 : vector<1x16xf32> to vector<16xf32>
      %mul3A_1078 = arith.mulf %get3A_766, %get3A_1077 : vector<16xf32>
      %add3A_1079 = arith.addf %add3A_1043, %mul3A_1078 : vector<16xf32>
      %add3A_1080 = arith.constant 16 : i32
      %add3A_1081 = arith.addi %mul3A_787, %add3A_1080 : i32
      %add3A_1082 = arith.constant 1 : i32
      %add3A_1083 = arith.addi %add3A_1081, %add3A_1082 : i32
      %get3A_1084 = arith.index_cast %add3A_1083 : i32 to index
      %get3A_1085 = arith.constant 0 : index
      %get3A_1086 = tpu.vector_load %arg8[%get3A_1084, %get3A_1085] {strides = array<i32>} : memref<2560x32xf32, #tpu.memory_space<vmem>>, vector<1x16xf32>,
      %get3A_1087 = vector.shape_cast %get3A_1086 : vector<1x16xf32> to vector<16xf32>
      %mul3A_1088 = arith.mulf %get3A_769, %get3A_1087 : vector<16xf32>
      %add3A_1089 = arith.addf %add3A_1053, %mul3A_1088 : vector<16xf32>
      %add3A_1090 = arith.constant 16 : i32
      %add3A_1091 = arith.addi %mul3A_787, %add3A_1090 : i32
      %add3A_1092 = arith.constant 1 : i32
      %add3A_1093 = arith.addi %add3A_1091, %add3A_1092 : i32
      %get3A_1094 = arith.index_cast %add3A_1093 : i32 to index
      %get3A_1095 = arith.constant 16 : index
      %get3A_1096 = tpu.vector_load %arg8[%get3A_1094, %get3A_1095] {strides = array<i32>} : memref<2560x32xf32, #tpu.memory_space<vmem>>, vector<1x16xf32>,
      %get3A_1097 = vector.shape_cast %get3A_1096 : vector<1x16xf32> to vector<16xf32>
      %mul3A_1098 = arith.mulf %get3A_769, %get3A_1097 : vector<16xf32>
      %add3A_1099 = arith.addf %add3A_1063, %mul3A_1098 : vector<16xf32>
      %add3A_1100 = arith.constant 18 : i32
      %add3A_1101 = arith.addi %mul3A_787, %add3A_1100 : i32
      %get3A_1102 = arith.index_cast %add3A_1101 : i32 to index
      %get3A_1103 = arith.constant 0 : index
      %get3A_1104 = tpu.vector_load %arg8[%get3A_1102, %get3A_1103] {strides = array<i32>} : memref<2560x32xf32, #tpu.memory_space<vmem>>, vector<1x16xf32>,
      %get3A_1105 = vector.shape_cast %get3A_1104 : vector<1x16xf32> to vector<16xf32>
      %mul3A_1106 = arith.mulf %get3A_772, %get3A_1105 : vector<16xf32>
      %add3A_1107 = arith.addf %add3A_1071, %mul3A_1106 : vector<16xf32>
      %add3A_1108 = arith.constant 18 : i32
      %add3A_1109 = arith.addi %mul3A_787, %add3A_1108 : i32
      %get3A_1110 = arith.index_cast %add3A_1109 : i32 to index
      %get3A_1111 = arith.constant 16 : index
      %get3A_1112 = tpu.vector_load %arg8[%get3A_1110, %get3A_1111] {strides = array<i32>} : memref<2560x32xf32, #tpu.memory_space<vmem>>, vector<1x16xf32>,
      %get3A_1113 = vector.shape_cast %get3A_1112 : vector<1x16xf32> to vector<16xf32>
      %mul3A_1114 = arith.mulf %get3A_772, %get3A_1113 : vector<16xf32>
      %add3A_1115 = arith.addf %add3A_1079, %mul3A_1114 : vector<16xf32>
      %add3A_1116 = arith.constant 18 : i32
      %add3A_1117 = arith.addi %mul3A_787, %add3A_1116 : i32
      %add3A_1118 = arith.constant 1 : i32
      %add3A_1119 = arith.addi %add3A_1117, %add3A_1118 : i32
      %get3A_1120 = arith.index_cast %add3A_1119 : i32 to index
      %get3A_1121 = arith.constant 0 : index
      %get3A_1122 = tpu.vector_load %arg8[%get3A_1120, %get3A_1121] {strides = array<i32>} : memref<2560x32xf32, #tpu.memory_space<vmem>>, vector<1x16xf32>,
      %get3A_1123 = vector.shape_cast %get3A_1122 : vector<1x16xf32> to vector<16xf32>
      %mul3A_1124 = arith.mulf %get3A_775, %get3A_1123 : vector<16xf32>
      %add3A_1125 = arith.addf %add3A_1089, %mul3A_1124 : vector<16xf32>
      %add3A_1126 = arith.constant 18 : i32
      %add3A_1127 = arith.addi %mul3A_787, %add3A_1126 : i32
      %add3A_1128 = arith.constant 1 : i32
      %add3A_1129 = arith.addi %add3A_1127, %add3A_1128 : i32
      %get3A_1130 = arith.index_cast %add3A_1129 : i32 to index
      %get3A_1131 = arith.constant 16 : index
      %get3A_1132 = tpu.vector_load %arg8[%get3A_1130, %get3A_1131] {strides = array<i32>} : memref<2560x32xf32, #tpu.memory_space<vmem>>, vector<1x16xf32>,
      %get3A_1133 = vector.shape_cast %get3A_1132 : vector<1x16xf32> to vector<16xf32>
      %mul3A_1134 = arith.mulf %get3A_775, %get3A_1133 : vector<16xf32>
      %add3A_1135 = arith.addf %add3A_1099, %mul3A_1134 : vector<16xf32>
      %mul3A_1136 = arith.constant 32 : i32
      %mul3A_1137 = arith.muli %scan3A_785, %mul3A_1136 : i32
      %multiple_of3A = tpu.assume_multiple %mul3A_1137, 32 : i32
      %add3A_1138 = arith.addf %add3A_1107, %add3A_1125 : vector<16xf32>
      %swap3A = arith.index_cast %multiple_of3A : i32 to index
      %swap3A_1139 = tpu.vector_load %arg9[%swap3A] {strides = array<i32>} : memref<4096xf32, #tpu.memory_space<vmem>>, vector<16xf32>,
      %swap3A_1140 = vector.shape_cast %swap3A_1139 : vector<16xf32> to vector<16xf32>
      %swap3A_1141 = vector.shape_cast %add3A_1138 : vector<16xf32> to vector<16xf32>
      tpu.vector_store %arg9[%swap3A], %swap3A_1141 {strides = array<i32>} : memref<4096xf32, #tpu.memory_space<vmem>>, vector<16xf32>,
      %add3A_1142 = arith.addf %add3A_1115, %add3A_1135 : vector<16xf32>
      %add3A_1143 = arith.constant 16 : i32
      %add3A_1144 = arith.addi %multiple_of3A, %add3A_1143 : i32
      %swap3A_1145 = arith.index_cast %add3A_1144 : i32 to index
      %swap3A_1146 = tpu.vector_load %arg9[%swap3A_1145] {strides = array<i32>} : memref<4096xf32, #tpu.memory_space<vmem>>, vector<16xf32>,
      %swap3A_1147 = vector.shape_cast %swap3A_1146 : vector<16xf32> to vector<16xf32>
      %swap3A_1148 = vector.shape_cast %add3A_1142 : vector<16xf32> to vector<16xf32>
      tpu.vector_store %arg9[%swap3A_1145], %swap3A_1148 {strides = array<i32>} : memref<4096xf32, #tpu.memory_space<vmem>>, vector<16xf32>,
    }
    %scan3A_780 = arith.constant 128 : i32
    %mul3A_781 = arith.constant 32 : i32
    %mul3A_782 = arith.muli %mul3A_2, %mul3A_781 : i32
    %add3A_783 = arith.constant 131072 : i32
    %add3A_784 = arith.addi %add3A_783, %mul3A_782 : i32
    "tpu.region"() ({
      %run_scoped3A = tpu.sem_alloc : memref<!tpu.dma_semaphore, #tpu.memory_space<semaphore_mem>>
      %dma_start3A_785 = tpu.memref_slice %arg6[%add3A_784] : memref<262144xf32, #tpu.memory_space<hbm>> -> memref<4096xf32, #tpu.memory_space<hbm>>
      %dma_start3A_786 = tpu.memref_slice %arg6[%add3A_784] : memref<262144xf32, #tpu.memory_space<hbm>> -> memref<4096xf32, #tpu.memory_space<hbm>>
      tpu.enqueue_dma source(%arg9 : memref<4096xf32, #tpu.memory_space<vmem>>) target(%dma_start3A_786 : memref<4096xf32, #tpu.memory_space<hbm>>) target_semaphore(%run_scoped3A : memref<!tpu.dma_semaphore, #tpu.memory_space<semaphore_mem>>)
      %dma_wait3A_787 = tpu.memref_slice %arg6[%add3A_784] : memref<262144xf32, #tpu.memory_space<hbm>> -> memref<4096xf32, #tpu.memory_space<hbm>>
      %dma_wait3A_788 = tpu.memref_slice %arg6[%add3A_784] : memref<262144xf32, #tpu.memory_space<hbm>> -> memref<4096xf32, #tpu.memory_space<hbm>>
      tpu.wait_dma2 semaphore(%run_scoped3A : memref<!tpu.dma_semaphore, #tpu.memory_space<semaphore_mem>>) src(%arg9 : memref<4096xf32, #tpu.memory_space<vmem>>) dst(%dma_wait3A_788 : memref<4096xf32, #tpu.memory_space<hbm>>)
      tpu.yield
    }) : () -> ()
    return
  }
}

</mosaic_0001>

<sc_bundles>
// kernel: _fpebc.3.cloned.1.call-start
scs
__scs_entry_jumppad:
0x0: {  	(pc) =	sbr.rel $0x88, $3  }
0x1: {  	(tag) =	ssettag $0x0;
	lr =	simm.s32 $0x1  }
0x2: {  	[smem:$0x3F9D] =	sst lr;
	_ =	strace $0xD0000000  }
0x3: {  	_ = 	snop  }
0x4: {  	_ = 	snop  }
0x5: {  	_ = 	snop  }
0x6: {  	_ = 	snop  }
0x7: {  	_ = 	snop  }
__scs_overlays_trampoline_lowered:
0x8: {  	[smem:$0x3FAC] =	sst s0  }
0x9: {  	[smem:$0x3FAD] =	sst s1  }
0xa: {  	[smem:$0x3FAE] =	sst s2  }
0xb: {  	[smem:$0x3FAF] =	sst s3  }
0xc: {  	[smem:$0x3FB0] =	sst s4  }
0xd: {  	[smem:$0x3FB1] =	sst s5  }
0xe: {  	[smem:$0x3FB2] =	sst s6  }
0xf: {  	[smem:$0x3FB3] =	sst s7  }
0x10: {  	[smem:$0x3FB4] =	sst s8  }
0x11: {  	[smem:$0x3FB5] =	sst s9;
	s0 =	simm.s32 @!p0 $0x0  }
0x12: {  	s1 =	sld [smem:$0x3F9B];
	s0 =	simm.s32 @p0 $0x1  }
0x13: {  	[smem:$0x3FB6] =	sst s0;
	s0 =	simm.s32 @!p1 $0x0  }
0x14: {  	s2 =	sld [smem:$0x3F9A];
	s0 =	simm.s32 @p1 $0x1  }
0x15: {  	[smem:$0x3FB7] =	sst s0;
	s0 =	simm.s32 @!p2 $0x0  }
0x16: {  	s3 =	sld [smem:$0x3FDB];
	s0 =	simm.s32 @p2 $0x1  }
0x17: {  	s4 =	simm.s32 $0x1BF5;
	[smem:$0x3FB9] =	sst s0  }
0x18: {  	s0 =	sld [smem:$0x3F9C];
	_ =	swait.ge [sflag:s4], $0x0  }
0x19: {  	s7 =	sld [smem:$0x3F9D]  }
0x1a: {  	s8 =	sadd.s32 $0xFFFFE003, lr  }
0x1b: {  	s9 =	sadd.s32 $0xFFFFFEF7, lr;
	s5 =	simm.s32 $0xFFFFFFFF;
	p2 =	slt.u32 s8, $0xFFFFF086  }
0x1c: {  	p1 =	slt.u32 s9, $0xF7A;
	s5 =	simm.s32 @!p2 $0x0  }
0x1d: {  	s5 =	simm.s32 @p1 $0x1;
	p0 =	seq.s32 s7, s2  }
0x1e: {  	s7 =	smul.u32 @!p0 $0xF7A, s2;
	p2 =	seq.s32 @!p0 s5, $0x0  }
0x1f: {  	s9 =	smul.u32 $0xF7A, s1;
	s8 =	simm.s32 @!p0 $0x1BF5;
	p2 =	por !p2, p0  }
0x20: {  	[sflag:s8] =	ssyncset.s32 @!p0 $0xFFFFF086;
	s6 =	sadd.s32 @!p0 s3, s7;
	s7 =	simm.s32 @!p0 $0x108  }
0x21: {  	s3 =	sadd.s32 s3, s9;
	s6 =	sadd.s32 @!p0 $0x88, s6;
	s7 =	simm.s32 @p2 $0x1082  }
0x22: {  	[simem:s7], [sflag:s8] =	dma.local @!p0 [hbm:s6], $0xF7A  }
0x23: {  	s9 =	sor.u32 $0xD0000000, s2;
	s6 =	simm.s32 $0x108;
	_ =	swait.ge @!p0 [sflag:s8], $0x0  }
0x24: {  	s3 =	sadd.s32 $0x88, s3;
	s6 =	simm.s32 @!p1 $0x1082;
	[sflag:s4] =	ssyncset.s32 $0xFFFFF086  }
0x25: {  	[simem:s6], [sflag:s4] =	dma.local [hbm:s3], $0xF7A  }
0x26: {  	[smem:$0x3F9D] =	sst s1;
	(tag) =	ssettag s2;
	_ =	strace s9  }
0x27: {  	s1 =	sld [smem:$0x3FAD]  }
0x28: {  	s2 =	sld [smem:$0x3FAE]  }
0x29: {  	s4 =	sld [smem:$0x3FB0]  }
0x2a: {  	p0 =	seq.s32 s5, $0x0;
	s5 =	sld [smem:$0x3FB1]  }
0x2b: {  	s6 =	sld [smem:$0x3FB2]  }
0x2c: {  	s7 =	sld [smem:$0x3FB3]  }
0x2d: {  	s3 =	simm.s32 $0x108;
	s8 =	sld [smem:$0x3FB4]  }
0x2e: {  	s3 =	simm.s32 @!p0 $0x1082;
	s9 =	sld [smem:$0x3FB5]  }
0x2f: {  	lr =	sadd.s32 s0, s3;
	s0 =	sld [smem:$0x3FAC]  }
0x30: {  	s3 =	sld [smem:$0x3FAF]  }
0x31: {  	[smem:$0x3FB8] =	sst s10  }
0x32: {  	s10 =	sld [smem:$0x3FB6];
	_ =	sdelay $0x3  }
0x33: {  	p0 =	seq.s32 s10, $0x1;
	s10 =	sld [smem:$0x3FB8];
	_ =	sdelay $0x3  }
0x34: {  	[smem:$0x3FB8] =	sst s10  }
0x35: {  	s10 =	sld [smem:$0x3FB7];
	_ =	sdelay $0x3  }
0x36: {  	p1 =	seq.s32 s10, $0x1;
	s10 =	sld [smem:$0x3FB8];
	_ =	sdelay $0x3  }
0x37: {  	[smem:$0x3FB8] =	sst s10  }
0x38: {  	s10 =	sld [smem:$0x3FB9]  }
0x39: {  	_ = 	snop;
	(pc) =	sbr.ind lr, $3  }
0x3a: {  	_ = 	snop  }
0x3b: {  	_ = 	snop  }
0x3c: {  	p2 =	seq.s32 s10, $0x1;
	s10 =	sld [smem:$0x3FB8]  }
0x3d: {  	_ =	shalt  }
0x3e: {  	_ =	shalt  }
0x3f: {  	_ =	shalt  }
0x40: {  	_ =	shalt  }
0x41: {  	_ =	shalt  }
0x42: {  	_ =	shalt  }
0x43: {  	_ =	shalt  }
0x44: {  	_ =	shalt  }
0x45: {  	_ =	shalt  }
0x46: {  	_ =	shalt  }
0x47: {  	_ =	shalt  }
0x48: {  	_ =	shalt  }
0x49: {  	_ =	shalt  }
0x4a: {  	_ =	shalt  }
0x4b: {  	_ =	shalt  }
0x4c: {  	_ =	shalt  }
0x4d: {  	_ =	shalt  }
0x4e: {  	_ =	shalt  }
0x4f: {  	_ =	shalt  }
0x50: {  	_ =	shalt  }
0x51: {  	_ =	shalt  }
0x52: {  	_ =	shalt  }
0x53: {  	_ =	shalt  }
0x54: {  	_ =	shalt  }
0x55: {  	_ =	shalt  }
0x56: {  	_ =	shalt  }
0x57: {  	_ =	shalt  }
0x58: {  	_ =	shalt  }
0x59: {  	_ =	shalt  }
0x5a: {  	_ =	shalt  }
0x5b: {  	_ =	shalt  }
0x5c: {  	_ =	shalt  }
0x5d: {  	_ =	shalt  }
0x5e: {  	_ =	shalt  }
0x5f: {  	_ =	shalt  }
0x60: {  	_ =	shalt  }
0x61: {  	_ =	shalt  }
0x62: {  	_ =	shalt  }
0x63: {  	_ =	shalt  }
0x64: {  	_ =	shalt  }
0x65: {  	_ =	shalt  }
0x66: {  	_ =	shalt  }
0x67: {  	_ =	shalt  }
0x68: {  	_ =	shalt  }
0x69: {  	_ =	shalt  }
0x6a: {  	_ =	shalt  }
0x6b: {  	_ =	shalt  }
0x6c: {  	_ =	shalt  }
0x6d: {  	_ =	shalt  }
0x6e: {  	_ =	shalt  }
0x6f: {  	_ =	shalt  }
0x70: {  	_ =	shalt  }
0x71: {  	_ =	shalt  }
0x72: {  	_ =	shalt  }
0x73: {  	_ =	shalt  }
0x74: {  	_ =	shalt  }
0x75: {  	_ =	shalt  }
0x76: {  	_ =	shalt  }
0x77: {  	_ =	shalt  }
0x78: {  	_ =	shalt  }
0x79: {  	_ =	shalt  }
0x7a: {  	_ =	shalt  }
0x7b: {  	_ =	shalt  }
0x7c: {  	_ =	shalt  }
0x7d: {  	_ =	shalt  }
0x7e: {  	_ =	shalt  }
0x7f: {  	_ =	shalt  }
0x80: {  	_ =	shalt  }
0x81: {  	_ =	shalt  }
0x82: {  	_ =	shalt  }
0x83: {  	_ =	shalt  }
0x84: {  	_ =	shalt  }
0x85: {  	_ =	shalt  }
0x86: {  	_ =	shalt  }
0x87: {  	_ =	shalt  }
.Lfunc_end0:
.L_simem_size_0:
called_computation_lowered:
.L_overlay_start_0:
0x88: {  	s2 =	sld [smem:$0x3FD9]  }
0x89: {  	s3 =	sld [smem:$0x3FFE];
	_ =	sdelay $0x1  }
0x8a: {  	s1 =	srdreg.scid  }
0x8b: {  	s0 =	sand.u32 $0x1, s1  }
0x8c: {  	s17 =	sshll.u32 s0, $0xA;
	s2 =	sadd.s32 s3, s2  }
0x8d: {  	s2 =	sadd.s32 s2, s17  }
0x8e: {  	[smem:$0x3FC4] =	sst s2  }
0x8f: {  	_ = 	snop  }
0x90: {  	s2 =	sld [smem:$0x3FC9]  }
0x91: {  	s18 =	sld [smem:$0x3FC6]  }
0x92: {  	s4 =	sld [smem:$0x3FD0];
	(tm) =	ssettm $0x1  }
0x93: {  	s5 =	sld [smem:$0x3FFB];
	_ =	sdelay $0x3  }
0x94: {  	_ =	strace s5  }
0x95: {  	s5 =	sld [smem:$0x3FFC];
	_ =	sdelay $0x3  }
0x96: {  	_ =	strace s5  }
0x97: {  	s5 =	sld [smem:$0x3FFD];
	_ =	sdelay $0x3  }
0x98: {  	_ =	strace s5  }
0x99: {  	_ =	strace $0x8FFFFFFF  }
0x9a: {  	s19 =	sld [smem:$0x3FDB];
	_ =	sdelay $0x1  }
0x9b: {  	s6 =	simm.s32 $_scs_section_size  }
0x9c: {  	s7 =	simm.s32 $_size__tile_overlayer_lowered;
	s8 =	simm.s32 $_tile_overlayer_lowered  }
0x9d: {  	s22 =	simm.s32 $0x1BFF;
	s21 =	sshll.u32 s8, $0x1;
	s5 =	sadd.s32 s6, s19  }
0x9e: {  	s9 =	simm.s32 $0x0;
	s20 =	sshll.u32 s7, $0x1;
	s7 =	sadd.s32 s21, s5  }
0x9f: {  	[timem:s9], [sflag:s22] =	dma.local [hbm:s7], s20  }
0xa0: {  	_ =	swait.ge [sflag:s22], s20  }
0xa1: {  	s6 =	ssub.s32 $0x0, s20;
	[sflag:s22] =	ssyncset.done $0x0  }
0xa2: {  	[sflag:s22] =	ssyncadd.s32 s6;
	_ =	sdelay $0x1  }
0xa3: {  	s23 =	simm.s32 $0x1B8B  }
0xa4: {  	_ =	swait.ge [sflag:s23], $0x1  }
0xa5: {  	[sflag:s23] =	ssyncset.done $0x0  }
0xa6: {  	s25 =	simm.s32 $0x1B8E;
	s24 =	sld [smem:$0x3FFE];
	[sflag:s23] =	ssyncadd.s32 $0xFFFFFFFF  }
0xa7: {  	s26 =	simm.s32 $execute0_lowered;
	[smem:$0x3FD2] =	sst s25  }
0xa8: {  	s7 =	sshll.u32 s26, $0x1;
	_ =	strace $0x80000046;
	[dreg:$0x1] =	wrdreg $0xFFFFFFFF  }
0xa9: {  	s28 =	simm.s32 $_size_execute0_lowered;
	s5 =	sadd.s32 s5, s7;
	[dreg:$0x0] =	wrdreg $0x0  }
0xaa: {  	s7 =	sshll.u32 s28, $0x1;
	[dreg:$0x2] =	wrdreg s5  }
0xab: {  	[dreg:$0x3] =	wrdreg s7  }
0xac: {  	[dreg:$0x4] =	wrdreg $0xC0  }
0xad: {  	_ =	task [dreg:s9], $0x5FFFF  }
0xae: {  	[dreg:$0x1] =	wrdreg $0xFFFFFFFF  }
0xaf: {  	[dreg:$0x0] =	wrdreg $0x60  }
0xb0: {  	[dreg:$0x2] =	wrdreg s2  }
0xb1: {  	[dreg:$0x3] =	wrdreg s24  }
0xb2: {  	[dreg:$0x4] =	wrdreg s18  }
0xb3: {  	[dreg:$0x5] =	wrdreg s4  }
0xb4: {  	[dreg:$0x6] =	wrdreg $0x9  }
0xb5: {  	_ =	task.clear_ibuf [dreg:s9], $0x7FFFF;
	_ =	strace $0x90000046  }
0xb6: {  	s29 =	simm.s32 $0x9;
	_ =	strace $0x80000048  }
0xb7: {  	_ =	swait.ge [sflag:s29], $0x1  }
0xb8: {  	[sflag:s29] =	ssyncadd.s32 $0xFFFFFFFF  }
0xb9: {  	_ =	strace $0x90000048  }
0xba: {  	_ =	sfence  }
0xbb: {  	s30 =	sld [smem:$0x0];
	_ =	sdelay $0x2  }
0xbc: {  	s31 =	sshll.u32 s1, $0xD;
	s1 =	sshrl.u32 s1, $0x2  }
0xbd: {  	s3 =	sand.u32 $0x4000, s31;
	s1 =	sadd.s32 s1, s30  }
0xbe: {  	s0 =	sor.u32 s3, s0;
	s1 =	sshll.u32 s1, $0x11  }
0xbf: {  	s0 =	sor.u32 s1, s0  }
0xc0: {  	s0 =	sadd.s32 $0x8F2B, s0  }
0xc1: {  	[sflag:s0] =	ssyncadd.remote.s32 $0x1  }
0xc2: {  	_ =	sfence.sel $0xFFFF  }
0xc3: {  	[dreg:$0x0] =	wrdreg $0xFFFFFFFF;
	(pc) =	sbr.abs _section_cstart, $3  }
0xc4: {  	[dreg:$0x1] =	wrdreg $0xFFFFFFFF  }
0xc5: {  	_ =	task.clear_ibuf [dreg:s9], $0x2FFFF;
	_ =	strace $0x9FFFFFFF  }
0xc6: {  	(tm) =	ssettm $0x7FFFFFFF  }
0xc7: {  	_ =	shalt  }
tec
execute0_lowered:
.L_overlay_start_1:
0x0: {  	(tag) =	ssettag $0x1  }
0x1: {  	s0 =	rddreg [dreg:$0x0]  }
0x2: {  	s1 =	rddreg [dreg:$0x1]  }
0x3: {  	s2 =	rddreg [dreg:$0x3]  }
0x4: {  	s4 =	srdreg.scid;
	s5 =	stileid.u32  }
0x5: {  	s3 =	simm.s32 $0x0;
	s12 =	simm.s32 $0x2;
	s13 =	simm.s32 $0x80  }
0x6: {  	s11 =	simm.s32 $0x580;
	s14 =	simm.s32 $0xBA00;
	s15 =	simm.s32 $0x600  }
0x7: {  	s16 =	simm.s32 $0xCA00;
	s17 =	simm.s32 $0x680;
	s18 =	simm.s32 $0xDA00  }
0x8: {  	s19 =	simm.s32 $0x700;
	s9 =	simm.s32 $0x10A00;
	s10 =	simm.s32 $0x11A00  }
0x9: {  	s28 =	simm.s32 $0x13A00;
	s29 =	simm.s32 $0x1;
	s30 =	simm.s32 $0x14A00  }
0xa: {  	s31 =	simm.s32 $0x0;
	s6 =	sand.u32 $0x1, s4;
	[smem:$0x7FF] =	sst s3  }
0xb: {  	s20 =	sshll.u32 s5, $0x1;
	s4 =	sadd.s32 $0xF42800, s1;
	s5 =	sadd.s32 $0x1313200, s1  }
0xc: {  	s7 =	sor.u32 s6, s20;
	_ =	strace $0x80000047;
	s21 =	ssub.s32 $0x2, s6  }
0xd: {  	s8 =	smul.u32 $0xA00, s7;
	s7 =	sshll.u32 s7, $0x9;
	s23 =	sshrl.u32 s21, $0x1  }
0xe: {  	s20 =	simm.s32 $0xEA00;
	s7 =	sadd.s32 s2, s7;
	s24 =	ssub.s32 s21, s23  }
0xf: {  	s21 =	simm.s32 $0x780;
	s23 =	simm.s32 $0x880;
	s22 =	sshrl.u32 s8, $0x3  }
0x10: {  	s26 =	sadd.s32 $0x4000, s7;
	s8 =	simm.s32 $0xFA00;
	s6 =	sadd.s32 s0, s22  }
0x11: {  	[dreg:$0x6] =	wrdreg s26;
	s0 =	smax.u32 s24, $0x1;
	s22 =	simm.s32 $0x800  }
0x12: {  	s24 =	simm.s32 $0x900;
	s25 =	sadd.s32 $0x2800, s6;
	[dreg:$0x7] =	wrdreg s0  }
0x13: {  	s26 =	simm.s32 $0x980;
	[dreg:$0x5] =	wrdreg s25;
	s25 =	simm.s32 $0x12A00  }
.LBB2_1:
0x14: {  	s0 =	rddreg [dreg:$0x2];
	s1 =	simm.s32 $0x15A00  }
0x15: {  	[tilespmem:s1], [sflag:$0x2] =	stream.linear.gather [hbm4b:s0+s3], $0x280, $0x38;
	[tilespmem:$0x15C80] =	vst v63  }
0x16: {  	_ =	swait.ge [sflag:s12], $0x280  }
0x17: {  	[sflag:s12] =	ssyncset.done $0x0  }
0x18: {  	[sflag:s12] =	ssyncadd.s32 $0xFFFFFD80  }
0x19: {  	[tilespmem:s3], [sflag:$0x2] =	stream.linear.gather [hbm4b:s6+s3], $0xA00, $0x38;
	[tilespmem:$0x15C80] =	vst v63  }
0x1a: {  	_ =	swait.ge [sflag:s12], $0xA00  }
0x1b: {  	[sflag:s12] =	ssyncset.done $0x0  }
0x1c: {  	s1 =	simm.s32 $0xA00;
	[sflag:s12] =	ssyncadd.s32 $0xFFFFF600  }
0x1d: {  	[tilespmem:s1], [sflag:$0x1] =	stream.indirect.gather [hbm4b:s4+s13], $0x20, s3, s13, $0xb8;
	[tilespmem:$0x15C80] =	vst v63  }
0x1e: {  	s2 =	simm.s32 $0x1A00  }
0x1f: {  	[tilespmem:s2], [sflag:$0x1] =	stream.indirect.gather [hbm4b:s4+s13], $0x20, s13, s13, $0xb8;
	[tilespmem:$0x15C80] =	vst v63  }
0x20: {  	s1 =	simm.s32 $0x100;
	s2 =	simm.s32 $0x2A00  }
0x21: {  	[tilespmem:s2], [sflag:$0x1] =	stream.indirect.gather [hbm4b:s4+s13], $0x20, s1, s13, $0xb8;
	[tilespmem:$0x15C80] =	vst v63  }
0x22: {  	s1 =	simm.s32 $0x180;
	s2 =	simm.s32 $0x3A00  }
0x23: {  	[tilespmem:s2], [sflag:$0x1] =	stream.indirect.gather [hbm4b:s4+s13], $0x20, s1, s13, $0xb8;
	[tilespmem:$0x15C80] =	vst v63  }
0x24: {  	s1 =	simm.s32 $0x200;
	s2 =	simm.s32 $0x4A00  }
0x25: {  	[tilespmem:s2], [sflag:$0x1] =	stream.indirect.gather [hbm4b:s4+s13], $0x20, s1, s13, $0xb8;
	[tilespmem:$0x15C80] =	vst v63  }
0x26: {  	s1 =	simm.s32 $0x280;
	s2 =	simm.s32 $0x5A00  }
0x27: {  	[tilespmem:s2], [sflag:$0x1] =	stream.indirect.gather [hbm4b:s4+s13], $0x20, s1, s13, $0xb8;
	[tilespmem:$0x15C80] =	vst v63  }
0x28: {  	s1 =	simm.s32 $0x300;
	s2 =	simm.s32 $0x6A00  }
0x29: {  	[tilespmem:s2], [sflag:$0x1] =	stream.indirect.gather [hbm4b:s4+s13], $0x20, s1, s13, $0xb8;
	[tilespmem:$0x15C80] =	vst v63  }
0x2a: {  	s1 =	simm.s32 $0x380;
	s2 =	simm.s32 $0x7A00  }
0x2b: {  	[tilespmem:s2], [sflag:$0x1] =	stream.indirect.gather [hbm4b:s4+s13], $0x20, s1, s13, $0xb8;
	[tilespmem:$0x15C80] =	vst v63  }
0x2c: {  	s1 =	simm.s32 $0x400;
	s2 =	simm.s32 $0x8A00  }
0x2d: {  	[tilespmem:s2], [sflag:$0x1] =	stream.indirect.gather [hbm4b:s4+s13], $0x20, s1, s13, $0xb8;
	[tilespmem:$0x15C80] =	vst v63  }
0x2e: {  	s1 =	simm.s32 $0x480;
	s2 =	simm.s32 $0x9A00  }
0x2f: {  	[tilespmem:s2], [sflag:$0x1] =	stream.indirect.gather [hbm4b:s4+s13], $0x20, s1, s13, $0xb8;
	[tilespmem:$0x15C80] =	vst v63  }
0x30: {  	s1 =	simm.s32 $0x500;
	s2 =	simm.s32 $0xAA00  }
0x31: {  	[tilespmem:s2], [sflag:$0x1] =	stream.indirect.gather [hbm4b:s4+s13], $0x20, s1, s13, $0xb8;
	[tilespmem:$0x15C80] =	vst v63  }
0x32: {  	_ = 	snop  }
0x33: {  	[tilespmem:s14], [sflag:$0x1] =	stream.indirect.gather [hbm4b:s4+s13], $0x20, s11, s13, $0xb8;
	[tilespmem:$0x15C80] =	vst v63  }
0x34: {  	_ = 	snop  }
0x35: {  	[tilespmem:s16], [sflag:$0x1] =	stream.indirect.gather [hbm4b:s4+s13], $0x20, s15, s13, $0xb8;
	[tilespmem:$0x15C80] =	vst v63  }
0x36: {  	_ = 	snop  }
0x37: {  	[tilespmem:s18], [sflag:$0x1] =	stream.indirect.gather [hbm4b:s4+s13], $0x20, s17, s13, $0xb8;
	[tilespmem:$0x15C80] =	vst v63  }
0x38: {  	_ = 	snop  }
0x39: {  	[tilespmem:s20], [sflag:$0x1] =	stream.indirect.gather [hbm4b:s4+s13], $0x20, s19, s13, $0xb8;
	[tilespmem:$0x15C80] =	vst v63  }
0x3a: {  	_ = 	snop  }
0x3b: {  	[tilespmem:s8], [sflag:$0x1] =	stream.indirect.gather [hbm4b:s4+s13], $0x20, s21, s13, $0xb8;
	[tilespmem:$0x15C80] =	vst v63  }
0x3c: {  	_ = 	snop  }
0x3d: {  	[tilespmem:s9], [sflag:$0x1] =	stream.indirect.gather [hbm4b:s4+s13], $0x20, s22, s13, $0xb8;
	[tilespmem:$0x15C80] =	vst v63  }
0x3e: {  	_ = 	snop  }
0x3f: {  	[tilespmem:s10], [sflag:$0x1] =	stream.indirect.gather [hbm4b:s4+s13], $0x20, s23, s13, $0xb8;
	[tilespmem:$0x15C80] =	vst v63  }
0x40: {  	_ = 	snop  }
0x41: {  	[tilespmem:s25], [sflag:$0x1] =	stream.indirect.gather [hbm4b:s4+s13], $0x20, s24, s13, $0xb8;
	[tilespmem:$0x15C80] =	vst v63  }
0x42: {  	_ = 	snop  }
0x43: {  	[tilespmem:s28], [sflag:$0x1] =	stream.indirect.gather [hbm4b:s4+s13], $0x20, s26, s13, $0xb8;
	[tilespmem:$0x15C80] =	vst v63  }
0x44: {  	_ =	swait.ge [sflag:s29], $0x1000  }
0x45: {  	[sflag:s29] =	ssyncset.done $0x0  }
0x46: {  	[sflag:s29] =	ssyncadd.s32 $0xFFFFF000  }
0x47: {  	_ =	swait.ge [sflag:s29], $0x1000  }
0x48: {  	[sflag:s29] =	ssyncset.done $0x0  }
0x49: {  	[sflag:s29] =	ssyncadd.s32 $0xFFFFF000  }
0x4a: {  	_ =	swait.ge [sflag:s29], $0x1000  }
0x4b: {  	[sflag:s29] =	ssyncset.done $0x0  }
0x4c: {  	[sflag:s29] =	ssyncadd.s32 $0xFFFFF000  }
0x4d: {  	_ =	swait.ge [sflag:s29], $0x1000  }
0x4e: {  	[sflag:s29] =	ssyncset.done $0x0  }
0x4f: {  	[sflag:s29] =	ssyncadd.s32 $0xFFFFF000  }
0x50: {  	_ =	swait.ge [sflag:s29], $0x1000  }
0x51: {  	[sflag:s29] =	ssyncset.done $0x0  }
0x52: {  	[sflag:s29] =	ssyncadd.s32 $0xFFFFF000  }
0x53: {  	_ =	swait.ge [sflag:s29], $0x1000  }
0x54: {  	[sflag:s29] =	ssyncset.done $0x0  }
0x55: {  	[sflag:s29] =	ssyncadd.s32 $0xFFFFF000  }
0x56: {  	_ =	swait.ge [sflag:s29], $0x1000  }
0x57: {  	[sflag:s29] =	ssyncset.done $0x0  }
0x58: {  	[sflag:s29] =	ssyncadd.s32 $0xFFFFF000  }
0x59: {  	_ =	swait.ge [sflag:s29], $0x1000  }
0x5a: {  	[sflag:s29] =	ssyncset.done $0x0  }
0x5b: {  	[sflag:s29] =	ssyncadd.s32 $0xFFFFF000  }
0x5c: {  	_ =	swait.ge [sflag:s29], $0x1000  }
0x5d: {  	[sflag:s29] =	ssyncset.done $0x0  }
0x5e: {  	[sflag:s29] =	ssyncadd.s32 $0xFFFFF000  }
0x5f: {  	_ =	swait.ge [sflag:s29], $0x1000  }
0x60: {  	[sflag:s29] =	ssyncset.done $0x0  }
0x61: {  	[sflag:s29] =	ssyncadd.s32 $0xFFFFF000  }
0x62: {  	_ =	swait.ge [sflag:s29], $0x1000  }
0x63: {  	[sflag:s29] =	ssyncset.done $0x0  }
0x64: {  	[sflag:s29] =	ssyncadd.s32 $0xFFFFF000  }
0x65: {  	_ =	swait.ge [sflag:s29], $0x1000  }
0x66: {  	[sflag:s29] =	ssyncset.done $0x0  }
0x67: {  	[sflag:s29] =	ssyncadd.s32 $0xFFFFF000  }
0x68: {  	_ =	swait.ge [sflag:s29], $0x1000  }
0x69: {  	[sflag:s29] =	ssyncset.done $0x0  }
0x6a: {  	[sflag:s29] =	ssyncadd.s32 $0xFFFFF000  }
0x6b: {  	_ =	swait.ge [sflag:s29], $0x1000  }
0x6c: {  	[sflag:s29] =	ssyncset.done $0x0  }
0x6d: {  	[sflag:s29] =	ssyncadd.s32 $0xFFFFF000  }
0x6e: {  	_ =	swait.ge [sflag:s29], $0x1000  }
0x6f: {  	[sflag:s29] =	ssyncset.done $0x0  }
0x70: {  	[sflag:s29] =	ssyncadd.s32 $0xFFFFF000  }
0x71: {  	_ =	swait.ge [sflag:s29], $0x1000  }
0x72: {  	[sflag:s29] =	ssyncset.done $0x0  }
0x73: {  	[sflag:s29] =	ssyncadd.s32 $0xFFFFF000  }
0x74: {  	_ =	swait.ge [sflag:s29], $0x1000  }
0x75: {  	[sflag:s29] =	ssyncset.done $0x0  }
0x76: {  	[sflag:s29] =	ssyncadd.s32 $0xFFFFF000  }
0x77: {  	_ =	swait.ge [sflag:s29], $0x1000  }
0x78: {  	[sflag:s29] =	ssyncset.done $0x0  }
0x79: {  	[sflag:s29] =	ssyncadd.s32 $0xFFFFF000  }
0x7a: {  	_ =	swait.ge [sflag:s29], $0x1000  }
0x7b: {  	[sflag:s29] =	ssyncset.done $0x0  }
0x7c: {  	[sflag:s29] =	ssyncadd.s32 $0xFFFFF000  }
0x7d: {  	_ =	swait.ge [sflag:s29], $0x1000  }
0x7e: {  	[sflag:s29] =	ssyncset.done $0x0  }
0x7f: {  	[sflag:s29] =	ssyncadd.s32 $0xFFFFF000  }
0x80: {  	v0 =	vld [tilespmem:$0x15A00]  }
0x81: {  	v1 =	vld [tilespmem:$0x15A10]  }
0x82: {  	v2 =	vld [tilespmem:$0x15A20]  }
0x83: {  	v3 =	vld [tilespmem:$0x15A30]  }
0x84: {  	v4 =	vld [tilespmem:$0x15A40]  }
0x85: {  	v5 =	vld [tilespmem:$0x15A50]  }
0x86: {  	v6 =	vld [tilespmem:$0x15A60]  }
0x87: {  	v7 =	vld [tilespmem:$0x15A70]  }
0x88: {  	v8 =	vld [tilespmem:$0x15A80]  }
0x89: {  	v9 =	vld [tilespmem:$0x15A90]  }
0x8a: {  	v10 =	vld [tilespmem:$0x15AA0]  }
0x8b: {  	v11 =	vld [tilespmem:$0x15AB0]  }
0x8c: {  	v12 =	vld [tilespmem:$0x15AC0]  }
0x8d: {  	v13 =	vld [tilespmem:$0x15AD0]  }
0x8e: {  	v14 =	vld [tilespmem:$0x15AE0]  }
0x8f: {  	v15 =	vld [tilespmem:$0x15AF0]  }
0x90: {  	v16 =	vld [tilespmem:$0x15B00]  }
0x91: {  	v17 =	vld [tilespmem:$0x15B10]  }
0x92: {  	v18 =	vld [tilespmem:$0x15B20]  }
0x93: {  	s0 =	simm.s32 $0xB40;
	v19 =	vld [tilespmem:$0x15B30]  }
0x94: {  	v20 =	vld [tilespmem:s0+$0x60]  }
0x95: {  	v21 =	vld [tilespmem:s0+$0x20]  }
0x96: {  	v22 =	vld [tilespmem:s0+$0x40]  }
0x97: {  	v23 =	vld [tilespmem:s0+$0xFFFFFFE0]  }
0x98: {  	v24 =	vld [tilespmem:s0+$0x80]  }
0x99: {  	v25 =	vld [tilespmem:s0+$0x0]  }
0x9a: {  	v26 =	vld [tilespmem:s0+$0xFFFFFFA0]  }
0x9b: {  	v27 =	vld [tilespmem:s0+$0xFFFFFFC0]  }
0x9c: {  	v28 =	vld [tilespmem:s0+$0xFFFFFF60]  }
0x9d: {  	v29 =	vld [tilespmem:s0+$0xFFFFFF20]  }
0x9e: {  	v30 =	vld [tilespmem:s0+$0xFFFFFEE0]  }
0x9f: {  	v31 =	vld [tilespmem:s0+$0xFFFFFF80]  }
0xa0: {  	v32 =	vld [tilespmem:s0+$0xFFFFFF40]  }
0xa1: {  	v33 =	vld [tilespmem:s0+$0xFFFFFF00]  }
0xa2: {  	v34 =	vld [tilespmem:s0+$0xFFFFFEC0]  }
0xa3: {  	v35 =	vld [tilespmem:s0+$0xFFFFFF30]  }
0xa4: {  	v36 =	vld [tilespmem:s0+$0xA0]  }
0xa5: {  	v37 =	vld [tilespmem:s0+$0xC0]  }
0xa6: {  	v38 =	vld [tilespmem:s0+$0xE0];
	v29 =	vmul.f32 v29, v3;
	v30 =	vmul.f32 v30, v1  }
0xa7: {  	v56 =	vld [tilespmem:s0+$0x100]  }
0xa8: {  	v57 =	vld [tilespmem:s0+$0xFFFFFF10];
	v28 =	vmul.f32 v28, v5;
	v33 =	vmul.f32 v33, v2;
	v29 =	vadd.f32 v29, v30  }
0xa9: {  	v58 =	vld [tilespmem:s0+$0xFFFFFEF0];
	v34 =	vmul.f32 v34, v0;
	v26 =	vmul.f32 v26, v7  }
0xaa: {  	v59 =	vld [tilespmem:s0+$0xFFFFFED0];
	v32 =	vmul.f32 v32, v4;
	v23 =	vmul.f32 v23, v9;
	v28 =	vadd.f32 v28, v29  }
0xab: {  	v60 =	vld [tilespmem:s0+$0xFFFFFF70];
	v31 =	vmul.f32 v31, v6;
	v27 =	vmul.f32 v27, v8  }
0xac: {  	v61 =	vld [tilespmem:s0+$0xFFFFFF50];
	v21 =	vmul.f32 v21, v11;
	v22 =	vmul.f32 v22, v12;
	v26 =	vadd.f32 v26, v28  }
0xad: {  	v62 =	vld [tilespmem:s0+$0xFFFFFFB0];
	v20 =	vmul.f32 v20, v13;
	v63 =	vmul.f32 v35, v3  }
0xae: {  	v40 =	vld [tilespmem:s0+$0xFFFFFF90];
	v24 =	vmul.f32 v24, v14;
	v36 =	vmul.f32 v36, v15;
	v23 =	vadd.f32 v23, v26  }
0xaf: {  	v42 =	vld [tilespmem:s0+$0xFFFFFFD0];
	v25 =	vmul.f32 v25, v10;
	v33 =	vadd.f32 v33, v34;
	v29 =	vmul.f32 v57, v2  }
0xb0: {  	v43 =	vld [tilespmem:s0+$0x30];
	v28 =	vmul.f32 v59, v0;
	v21 =	vadd.f32 v21, v23;
	v23 =	vmul.f32 v58, v1  }
0xb1: {  	v41 =	vld [tilespmem:s0+$0xFFFFFFF0];
	v38 =	vmul.f32 v38, v17;
	v32 =	vadd.f32 v32, v33;
	v33 =	vmul.f32 v60, v5  }
0xb2: {  	v44 =	vld [tilespmem:s0+$0x10];
	v28 =	vadd.f32 v29, v28;
	v26 =	vmul.f32 v61, v4;
	v23 =	vadd.f32 v63, v23  }
0xb3: {  	v46 =	vld [tilespmem:s0+$0x70];
	v45 =	vmul.f32 v40, v6;
	v37 =	vmul.f32 v37, v16;
	v31 =	vadd.f32 v31, v32  }
0xb4: {  	v47 =	vld [tilespmem:s0+$0x50];
	v32 =	vmul.f32 v62, v7;
	v26 =	vadd.f32 v26, v28;
	v23 =	vadd.f32 v33, v23  }
0xb5: {  	v49 =	vld [tilespmem:s0+$0x90];
	v48 =	vmul.f32 v42, v8;
	v50 =	vmul.f32 v43, v11;
	v27 =	vadd.f32 v27, v31  }
0xb6: {  	v55 =	vld [tilespmem:s0+$0xF0];
	v31 =	vmul.f32 v41, v9;
	v26 =	vadd.f32 v45, v26;
	v23 =	vadd.f32 v32, v23  }
0xb7: {  	v51 =	vld [tilespmem:s0+$0xB0];
	v52 =	vmul.f32 v44, v10;
	v25 =	vadd.f32 v25, v27;
	v20 =	vadd.f32 v20, v21  }
0xb8: {  	v39 =	vld [tilespmem:s0+$0x120];
	v54 =	vmul.f32 v46, v13;
	v21 =	vadd.f32 v48, v26;
	v23 =	vadd.f32 v31, v23  }
0xb9: {  	v53 =	vld [tilespmem:s0+$0xD0];
	v30 =	vmul.f32 v56, v18;
	v56 =	vmul.f32 v47, v12;
	v22 =	vadd.f32 v22, v25  }
0xba: {  	v57 =	vld [tilespmem:s0+$0x110];
	v60 =	vmul.f32 v49, v14;
	v21 =	vadd.f32 v52, v21;
	v23 =	vadd.f32 v50, v23  }
0xbb: {  	v59 =	vld [tilespmem:s0+$0x130];
	v62 =	vmul.f32 v55, v17;
	v20 =	vadd.f32 v36, v20;
	v22 =	vadd.f32 v24, v22  }
0xbc: {  	v61 =	vmul.f32 v51, v15;
	v21 =	vadd.f32 v56, v21;
	v23 =	vadd.f32 v54, v23  }
0xbd: {  	v58 =	vmul.f32 v39, v19;
	v20 =	vadd.f32 v38, v20;
	v22 =	vadd.f32 v37, v22  }
0xbe: {  	v28 =	vmul.f32 v53, v16;
	v21 =	vadd.f32 v60, v21;
	v23 =	vadd.f32 v61, v23  }
0xbf: {  	v63 =	vmul.f32 v57, v18;
	v20 =	vadd.f32 v58, v20;
	v22 =	vadd.f32 v30, v22  }
0xc0: {  	v24 =	vmul.f32 v59, v19;
	v21 =	vadd.f32 v28, v21;
	v23 =	vadd.f32 v62, v23  }
0xc1: {  	v20 =	vadd.f32 v20, v22  }
0xc2: {  	v21 =	vadd.f32 v63, v21;
	v22 =	vadd.f32 v24, v23  }
0xc3: {  	s2 =	simm.s32 $0x0  }
0xc4: {  	s1 =	simm.s32 $0x80;
	[tilespmem:s2+$0x14A00] =	vst v20;
	v20 =	vadd.f32 v22, v21  }
.LBB2_2:
0xc5: {  	p0 =	sne.s32 s1, $0x3F80  }
0xc6: {  	s0 =	sadd.s32 $0x280, s0;
	[tilespmem:s2+$0x14A10] =	vst v20;
	s2 =	smov.u32 s1;
	s1 =	sadd.s32 $0x80, s1  }
0xc7: {  	v20 =	vld [tilespmem:s0+$0x60]  }
0xc8: {  	v21 =	vld [tilespmem:s0+$0x20]  }
0xc9: {  	v22 =	vld [tilespmem:s0+$0x40]  }
0xca: {  	v23 =	vld [tilespmem:s0+$0xFFFFFFE0]  }
0xcb: {  	v24 =	vld [tilespmem:s0+$0x80]  }
0xcc: {  	v25 =	vld [tilespmem:s0+$0x0]  }
0xcd: {  	v26 =	vld [tilespmem:s0+$0xFFFFFFA0]  }
0xce: {  	v27 =	vld [tilespmem:s0+$0xFFFFFFC0]  }
0xcf: {  	v28 =	vld [tilespmem:s0+$0xFFFFFF60]  }
0xd0: {  	v29 =	vld [tilespmem:s0+$0xFFFFFF20]  }
0xd1: {  	v30 =	vld [tilespmem:s0+$0xFFFFFEE0]  }
0xd2: {  	v31 =	vld [tilespmem:s0+$0xFFFFFF80]  }
0xd3: {  	v32 =	vld [tilespmem:s0+$0xFFFFFF40];
	v27 =	vmul.f32 v27, v8  }
0xd4: {  	v26 =	vmul.f32 v26, v7;
	v33 =	vld [tilespmem:s0+$0xFFFFFF00]  }
0xd5: {  	v34 =	vld [tilespmem:s0+$0xFFFFFEC0];
	v29 =	vmul.f32 v29, v3  }
0xd6: {  	v23 =	vmul.f32 v23, v9;
	v30 =	vmul.f32 v30, v1;
	v35 =	vld [tilespmem:s0+$0xFFFFFF30]  }
0xd7: {  	v22 =	vmul.f32 v22, v12;
	v36 =	vld [tilespmem:s0+$0xA0]  }
0xd8: {  	v21 =	vmul.f32 v21, v11;
	v28 =	vmul.f32 v28, v5;
	v29 =	vadd.f32 v29, v30;
	v30 =	vld [tilespmem:s0+$0xC0]  }
0xd9: {  	v32 =	vmul.f32 v32, v4;
	v33 =	vmul.f32 v33, v2;
	v37 =	vld [tilespmem:s0+$0xE0]  }
0xda: {  	v20 =	vmul.f32 v20, v13;
	v34 =	vmul.f32 v34, v0;
	v28 =	vadd.f32 v28, v29;
	v29 =	vld [tilespmem:s0+$0x100]  }
0xdb: {  	v24 =	vmul.f32 v24, v14;
	v38 =	vld [tilespmem:s0+$0x120]  }
0xdc: {  	v31 =	vmul.f32 v31, v6;
	v33 =	vadd.f32 v33, v34;
	v34 =	vld [tilespmem:s0+$0xFFFFFF10];
	v36 =	vmul.f32 v36, v15  }
0xdd: {  	v25 =	vmul.f32 v25, v10;
	v26 =	vadd.f32 v26, v28;
	v39 =	vld [tilespmem:s0+$0xFFFFFEF0]  }
0xde: {  	v28 =	vld [tilespmem:s0+$0xFFFFFED0];
	v32 =	vadd.f32 v32, v33;
	v33 =	vmul.f32 v37, v17  }
0xdf: {  	v23 =	vadd.f32 v23, v26;
	v26 =	vmul.f32 v30, v16;
	v37 =	vld [tilespmem:s0+$0xFFFFFF70];
	v29 =	vmul.f32 v29, v18  }
0xe0: {  	v30 =	vld [tilespmem:s0+$0xFFFFFF50];
	v31 =	vadd.f32 v31, v32;
	v32 =	vmul.f32 v38, v19  }
0xe1: {  	v21 =	vadd.f32 v21, v23;
	v38 =	vld [tilespmem:s0+$0xFFFFFFB0]  }
0xe2: {  	v35 =	vmul.f32 v35, v3;
	v23 =	vmul.f32 v39, v1;
	v39 =	vld [tilespmem:s0+$0xFFFFFF90];
	v27 =	vadd.f32 v27, v31  }
0xe3: {  	v31 =	vmul.f32 v34, v2;
	v20 =	vadd.f32 v20, v21;
	v28 =	vmul.f32 v28, v0;
	v34 =	vld [tilespmem:s0+$0xFFFFFFF0]  }
0xe4: {  	v21 =	vadd.f32 v35, v23;
	v23 =	vmul.f32 v37, v5;
	v35 =	vld [tilespmem:s0+$0xFFFFFFD0];
	v25 =	vadd.f32 v25, v27  }
0xe5: {  	v20 =	vadd.f32 v36, v20;
	v27 =	vadd.f32 v31, v28;
	v28 =	vmul.f32 v30, v4;
	v30 =	vld [tilespmem:s0+$0x30]  }
0xe6: {  	v21 =	vadd.f32 v23, v21;
	v23 =	vmul.f32 v38, v7;
	v31 =	vld [tilespmem:s0+$0x10];
	v22 =	vadd.f32 v22, v25  }
0xe7: {  	v20 =	vadd.f32 v33, v20;
	v25 =	vadd.f32 v28, v27;
	v27 =	vmul.f32 v39, v6;
	v28 =	vld [tilespmem:s0+$0x70]  }
0xe8: {  	v21 =	vadd.f32 v23, v21;
	v23 =	vmul.f32 v34, v9;
	v33 =	vld [tilespmem:s0+$0x50];
	v22 =	vadd.f32 v24, v22  }
0xe9: {  	v24 =	vadd.f32 v27, v25;
	v25 =	vmul.f32 v35, v8;
	v27 =	vld [tilespmem:s0+$0x90]  }
0xea: {  	v21 =	vadd.f32 v23, v21;
	v23 =	vmul.f32 v30, v11;
	v30 =	vld [tilespmem:s0+$0xB0];
	v22 =	vadd.f32 v26, v22  }
0xeb: {  	v20 =	vadd.f32 v32, v20;
	v24 =	vadd.f32 v25, v24;
	v25 =	vmul.f32 v31, v10;
	v26 =	vld [tilespmem:s0+$0xD0]  }
0xec: {  	v21 =	vadd.f32 v23, v21;
	v23 =	vmul.f32 v28, v13;
	v28 =	vld [tilespmem:s0+$0xF0];
	v22 =	vadd.f32 v29, v22  }
0xed: {  	v24 =	vadd.f32 v25, v24;
	v25 =	vmul.f32 v33, v12;
	v29 =	vld [tilespmem:s0+$0x110]  }
0xee: {  	v21 =	vadd.f32 v23, v21;
	v23 =	vld [tilespmem:s0+$0x130];
	v20 =	vadd.f32 v20, v22  }
0xef: {  	s2 =	sshra.s32 s2, $0x2;
	v22 =	vadd.f32 v25, v24;
	v24 =	vmul.f32 v27, v14;
	v25 =	vmul.f32 v30, v15  }
0xf0: {  	v26 =	vmul.f32 v26, v16;
	[tilespmem:s2+$0x14A00] =	vst v20  }
0xf1: {  	v20 =	vadd.f32 v24, v22;
	v21 =	vadd.f32 v25, v21;
	v22 =	vmul.f32 v28, v17  }
0xf2: {  	v24 =	vmul.f32 v29, v18  }
.Ltmp0:
0xf3: {  	v20 =	vadd.f32 v26, v20;
	v21 =	vadd.f32 v22, v21;
	v22 =	vmul.f32 v23, v19;
	(pc) =	sbr.rel @p0 .LBB2_2-.Ltmp0, $3  }
0xf4: {  	_ = 	snop  }
0xf5: {  	v20 =	vadd.f32 v24, v20;
	v21 =	vadd.f32 v22, v21;
	_ =	sdelay $0x1  }
0xf6: {  	v20 =	vadd.f32 v21, v20  }
0xf7: {  	_ = 	snop  }
0xf8: {  	s0 =	simm.s32 $0x0;
	[tilespmem:s2+$0x14A10] =	vst v20  }
0xf9: {  	[hbm4b:s7+s0] =	stream.linear.scatter [tilespmem:s30], [sflag:$0x2], $0x1000, $0x38;
	[tilespmem:$0x15C80] =	vst v63  }
0xfa: {  	_ =	swait.ge [sflag:s12], $0x1000  }
0xfb: {  	[sflag:s12] =	ssyncset.done $0x0  }
0xfc: {  	s1 =	rddreg [dreg:$0x5];
	[sflag:s12] =	ssyncadd.s32 $0xFFFFF000  }
0xfd: {  	[tilespmem:s0], [sflag:$0x2] =	stream.linear.gather [hbm4b:s1+s0], $0xA00, $0x38;
	[tilespmem:$0x15C80] =	vst v63  }
0xfe: {  	_ =	swait.ge [sflag:s12], $0xA00  }
0xff: {  	[sflag:s12] =	ssyncset.done $0x0  }
0x100: {  	s2 =	simm.s32 $0xA00;
	[sflag:s12] =	ssyncadd.s32 $0xFFFFF600  }
0x101: {  	[tilespmem:s2], [sflag:$0x1] =	stream.indirect.gather [hbm4b:s5+s13], $0x20, s0, s13, $0xb8;
	[tilespmem:$0x15C80] =	vst v63  }
0x102: {  	s2 =	simm.s32 $0x1A00  }
0x103: {  	[tilespmem:s2], [sflag:$0x1] =	stream.indirect.gather [hbm4b:s5+s13], $0x20, s13, s13, $0xb8;
	[tilespmem:$0x15C80] =	vst v63  }
0x104: {  	s1 =	simm.s32 $0x100;
	s2 =	simm.s32 $0x2A00  }
0x105: {  	[tilespmem:s2], [sflag:$0x1] =	stream.indirect.gather [hbm4b:s5+s13], $0x20, s1, s13, $0xb8;
	[tilespmem:$0x15C80] =	vst v63  }
0x106: {  	s1 =	simm.s32 $0x180;
	s2 =	simm.s32 $0x3A00  }
0x107: {  	[tilespmem:s2], [sflag:$0x1] =	stream.indirect.gather [hbm4b:s5+s13], $0x20, s1, s13, $0xb8;
	[tilespmem:$0x15C80] =	vst v63  }
0x108: {  	s1 =	simm.s32 $0x200;
	s2 =	simm.s32 $0x4A00  }
0x109: {  	[tilespmem:s2], [sflag:$0x1] =	stream.indirect.gather [hbm4b:s5+s13], $0x20, s1, s13, $0xb8;
	[tilespmem:$0x15C80] =	vst v63  }
0x10a: {  	s1 =	simm.s32 $0x280;
	s2 =	simm.s32 $0x5A00  }
0x10b: {  	[tilespmem:s2], [sflag:$0x1] =	stream.indirect.gather [hbm4b:s5+s13], $0x20, s1, s13, $0xb8;
	[tilespmem:$0x15C80] =	vst v63  }
0x10c: {  	s1 =	simm.s32 $0x300;
	s2 =	simm.s32 $0x6A00  }
0x10d: {  	[tilespmem:s2], [sflag:$0x1] =	stream.indirect.gather [hbm4b:s5+s13], $0x20, s1, s13, $0xb8;
	[tilespmem:$0x15C80] =	vst v63  }
0x10e: {  	s1 =	simm.s32 $0x380;
	s2 =	simm.s32 $0x7A00  }
0x10f: {  	[tilespmem:s2], [sflag:$0x1] =	stream.indirect.gather [hbm4b:s5+s13], $0x20, s1, s13, $0xb8;
	[tilespmem:$0x15C80] =	vst v63  }
0x110: {  	s1 =	simm.s32 $0x400;
	s2 =	simm.s32 $0x8A00  }
0x111: {  	[tilespmem:s2], [sflag:$0x1] =	stream.indirect.gather [hbm4b:s5+s13], $0x20, s1, s13, $0xb8;
	[tilespmem:$0x15C80] =	vst v63  }
0x112: {  	s1 =	simm.s32 $0x480;
	s2 =	simm.s32 $0x9A00  }
0x113: {  	[tilespmem:s2], [sflag:$0x1] =	stream.indirect.gather [hbm4b:s5+s13], $0x20, s1, s13, $0xb8;
	[tilespmem:$0x15C80] =	vst v63  }
0x114: {  	s1 =	simm.s32 $0x500;
	s2 =	simm.s32 $0xAA00  }
0x115: {  	[tilespmem:s2], [sflag:$0x1] =	stream.indirect.gather [hbm4b:s5+s13], $0x20, s1, s13, $0xb8;
	[tilespmem:$0x15C80] =	vst v63  }
0x116: {  	_ = 	snop  }
0x117: {  	[tilespmem:s14], [sflag:$0x1] =	stream.indirect.gather [hbm4b:s5+s13], $0x20, s11, s13, $0xb8;
	[tilespmem:$0x15C80] =	vst v63  }
0x118: {  	_ = 	snop  }
0x119: {  	[tilespmem:s16], [sflag:$0x1] =	stream.indirect.gather [hbm4b:s5+s13], $0x20, s15, s13, $0xb8;
	[tilespmem:$0x15C80] =	vst v63  }
0x11a: {  	_ = 	snop  }
0x11b: {  	[tilespmem:s18], [sflag:$0x1] =	stream.indirect.gather [hbm4b:s5+s13], $0x20, s17, s13, $0xb8;
	[tilespmem:$0x15C80] =	vst v63  }
0x11c: {  	_ = 	snop  }
0x11d: {  	[tilespmem:s20], [sflag:$0x1] =	stream.indirect.gather [hbm4b:s5+s13], $0x20, s19, s13, $0xb8;
	[tilespmem:$0x15C80] =	vst v63  }
0x11e: {  	_ = 	snop  }
0x11f: {  	[tilespmem:s8], [sflag:$0x1] =	stream.indirect.gather [hbm4b:s5+s13], $0x20, s21, s13, $0xb8;
	[tilespmem:$0x15C80] =	vst v63  }
0x120: {  	_ = 	snop  }
0x121: {  	[tilespmem:s9], [sflag:$0x1] =	stream.indirect.gather [hbm4b:s5+s13], $0x20, s22, s13, $0xb8;
	[tilespmem:$0x15C80] =	vst v63  }
0x122: {  	_ = 	snop  }
0x123: {  	[tilespmem:s10], [sflag:$0x1] =	stream.indirect.gather [hbm4b:s5+s13], $0x20, s23, s13, $0xb8;
	[tilespmem:$0x15C80] =	vst v63  }
0x124: {  	_ = 	snop  }
0x125: {  	[tilespmem:s25], [sflag:$0x1] =	stream.indirect.gather [hbm4b:s5+s13], $0x20, s24, s13, $0xb8;
	[tilespmem:$0x15C80] =	vst v63  }
0x126: {  	_ = 	snop  }
0x127: {  	[tilespmem:s28], [sflag:$0x1] =	stream.indirect.gather [hbm4b:s5+s13], $0x20, s26, s13, $0xb8;
	[tilespmem:$0x15C80] =	vst v63  }
0x128: {  	_ =	swait.ge [sflag:s29], $0x1000  }
0x129: {  	[sflag:s29] =	ssyncset.done $0x0  }
0x12a: {  	[sflag:s29] =	ssyncadd.s32 $0xFFFFF000  }
0x12b: {  	_ =	swait.ge [sflag:s29], $0x1000  }
0x12c: {  	[sflag:s29] =	ssyncset.done $0x0  }
0x12d: {  	[sflag:s29] =	ssyncadd.s32 $0xFFFFF000  }
0x12e: {  	_ =	swait.ge [sflag:s29], $0x1000  }
0x12f: {  	[sflag:s29] =	ssyncset.done $0x0  }
0x130: {  	[sflag:s29] =	ssyncadd.s32 $0xFFFFF000  }
0x131: {  	_ =	swait.ge [sflag:s29], $0x1000  }
0x132: {  	[sflag:s29] =	ssyncset.done $0x0  }
0x133: {  	[sflag:s29] =	ssyncadd.s32 $0xFFFFF000  }
0x134: {  	_ =	swait.ge [sflag:s29], $0x1000  }
0x135: {  	[sflag:s29] =	ssyncset.done $0x0  }
0x136: {  	[sflag:s29] =	ssyncadd.s32 $0xFFFFF000  }
0x137: {  	_ =	swait.ge [sflag:s29], $0x1000  }
0x138: {  	[sflag:s29] =	ssyncset.done $0x0  }
0x139: {  	[sflag:s29] =	ssyncadd.s32 $0xFFFFF000  }
0x13a: {  	_ =	swait.ge [sflag:s29], $0x1000  }
0x13b: {  	[sflag:s29] =	ssyncset.done $0x0  }
0x13c: {  	[sflag:s29] =	ssyncadd.s32 $0xFFFFF000  }
0x13d: {  	_ =	swait.ge [sflag:s29], $0x1000  }
0x13e: {  	[sflag:s29] =	ssyncset.done $0x0  }
0x13f: {  	[sflag:s29] =	ssyncadd.s32 $0xFFFFF000  }
0x140: {  	_ =	swait.ge [sflag:s29], $0x1000  }
0x141: {  	[sflag:s29] =	ssyncset.done $0x0  }
0x142: {  	[sflag:s29] =	ssyncadd.s32 $0xFFFFF000  }
0x143: {  	_ =	swait.ge [sflag:s29], $0x1000  }
0x144: {  	[sflag:s29] =	ssyncset.done $0x0  }
0x145: {  	[sflag:s29] =	ssyncadd.s32 $0xFFFFF000  }
0x146: {  	_ =	swait.ge [sflag:s29], $0x1000  }
0x147: {  	[sflag:s29] =	ssyncset.done $0x0  }
0x148: {  	[sflag:s29] =	ssyncadd.s32 $0xFFFFF000  }
0x149: {  	_ =	swait.ge [sflag:s29], $0x1000  }
0x14a: {  	[sflag:s29] =	ssyncset.done $0x0  }
0x14b: {  	[sflag:s29] =	ssyncadd.s32 $0xFFFFF000  }
0x14c: {  	_ =	swait.ge [sflag:s29], $0x1000  }
0x14d: {  	[sflag:s29] =	ssyncset.done $0x0  }
0x14e: {  	[sflag:s29] =	ssyncadd.s32 $0xFFFFF000  }
0x14f: {  	_ =	swait.ge [sflag:s29], $0x1000  }
0x150: {  	[sflag:s29] =	ssyncset.done $0x0  }
0x151: {  	[sflag:s29] =	ssyncadd.s32 $0xFFFFF000  }
0x152: {  	_ =	swait.ge [sflag:s29], $0x1000  }
0x153: {  	[sflag:s29] =	ssyncset.done $0x0  }
0x154: {  	[sflag:s29] =	ssyncadd.s32 $0xFFFFF000  }
0x155: {  	_ =	swait.ge [sflag:s29], $0x1000  }
0x156: {  	[sflag:s29] =	ssyncset.done $0x0  }
0x157: {  	[sflag:s29] =	ssyncadd.s32 $0xFFFFF000  }
0x158: {  	_ =	swait.ge [sflag:s29], $0x1000  }
0x159: {  	[sflag:s29] =	ssyncset.done $0x0  }
0x15a: {  	[sflag:s29] =	ssyncadd.s32 $0xFFFFF000  }
0x15b: {  	_ =	swait.ge [sflag:s29], $0x1000  }
0x15c: {  	[sflag:s29] =	ssyncset.done $0x0  }
0x15d: {  	[sflag:s29] =	ssyncadd.s32 $0xFFFFF000  }
0x15e: {  	_ =	swait.ge [sflag:s29], $0x1000  }
0x15f: {  	[sflag:s29] =	ssyncset.done $0x0  }
0x160: {  	[sflag:s29] =	ssyncadd.s32 $0xFFFFF000  }
0x161: {  	_ =	swait.ge [sflag:s29], $0x1000  }
0x162: {  	[sflag:s29] =	ssyncset.done $0x0  }
0x163: {  	[sflag:s29] =	ssyncadd.s32 $0xFFFFF000  }
0x164: {  	v0 =	vld [tilespmem:$0x15B40]  }
0x165: {  	v1 =	vld [tilespmem:$0x15B50]  }
0x166: {  	v2 =	vld [tilespmem:$0x15B60]  }
0x167: {  	v3 =	vld [tilespmem:$0x15B70]  }
0x168: {  	v4 =	vld [tilespmem:$0x15B80]  }
0x169: {  	v5 =	vld [tilespmem:$0x15B90]  }
0x16a: {  	v6 =	vld [tilespmem:$0x15BA0]  }
0x16b: {  	v7 =	vld [tilespmem:$0x15BB0]  }
0x16c: {  	v8 =	vld [tilespmem:$0x15BC0]  }
0x16d: {  	v9 =	vld [tilespmem:$0x15BD0]  }
0x16e: {  	v10 =	vld [tilespmem:$0x15BE0]  }
0x16f: {  	v11 =	vld [tilespmem:$0x15BF0]  }
0x170: {  	v12 =	vld [tilespmem:$0x15C00]  }
0x171: {  	v13 =	vld [tilespmem:$0x15C10]  }
0x172: {  	v14 =	vld [tilespmem:$0x15C20]  }
0x173: {  	v15 =	vld [tilespmem:$0x15C30]  }
0x174: {  	v16 =	vld [tilespmem:$0x15C40]  }
0x175: {  	v17 =	vld [tilespmem:$0x15C50]  }
0x176: {  	v18 =	vld [tilespmem:$0x15C60]  }
0x177: {  	s0 =	simm.s32 $0xB40;
	v19 =	vld [tilespmem:$0x15C70]  }
0x178: {  	v20 =	vld [tilespmem:s0+$0x60]  }
0x179: {  	v21 =	vld [tilespmem:s0+$0x20]  }
0x17a: {  	v22 =	vld [tilespmem:s0+$0x40]  }
0x17b: {  	v23 =	vld [tilespmem:s0+$0xFFFFFFE0]  }
0x17c: {  	v24 =	vld [tilespmem:s0+$0x80]  }
0x17d: {  	v25 =	vld [tilespmem:s0+$0x0]  }
0x17e: {  	v26 =	vld [tilespmem:s0+$0xFFFFFFA0]  }
0x17f: {  	v27 =	vld [tilespmem:s0+$0xFFFFFFC0]  }
0x180: {  	v28 =	vld [tilespmem:s0+$0xFFFFFF60]  }
0x181: {  	v29 =	vld [tilespmem:s0+$0xFFFFFF20]  }
0x182: {  	v30 =	vld [tilespmem:s0+$0xFFFFFEE0]  }
0x183: {  	v31 =	vld [tilespmem:s0+$0xFFFFFF80]  }
0x184: {  	v32 =	vld [tilespmem:s0+$0xFFFFFF40]  }
0x185: {  	v33 =	vld [tilespmem:s0+$0xFFFFFF00]  }
0x186: {  	v34 =	vld [tilespmem:s0+$0xFFFFFEC0]  }
0x187: {  	v35 =	vld [tilespmem:s0+$0xFFFFFF30]  }
0x188: {  	v36 =	vld [tilespmem:s0+$0xA0]  }
0x189: {  	v37 =	vld [tilespmem:s0+$0xC0]  }
0x18a: {  	v38 =	vld [tilespmem:s0+$0xE0];
	v29 =	vmul.f32 v29, v3;
	v30 =	vmul.f32 v30, v1  }
0x18b: {  	v56 =	vld [tilespmem:s0+$0x100]  }
0x18c: {  	v57 =	vld [tilespmem:s0+$0xFFFFFF10];
	v28 =	vmul.f32 v28, v5;
	v33 =	vmul.f32 v33, v2;
	v29 =	vadd.f32 v29, v30  }
0x18d: {  	v58 =	vld [tilespmem:s0+$0xFFFFFEF0];
	v34 =	vmul.f32 v34, v0;
	v26 =	vmul.f32 v26, v7  }
0x18e: {  	v59 =	vld [tilespmem:s0+$0xFFFFFED0];
	v32 =	vmul.f32 v32, v4;
	v23 =	vmul.f32 v23, v9;
	v28 =	vadd.f32 v28, v29  }
0x18f: {  	v60 =	vld [tilespmem:s0+$0xFFFFFF70];
	v31 =	vmul.f32 v31, v6;
	v27 =	vmul.f32 v27, v8  }
0x190: {  	v61 =	vld [tilespmem:s0+$0xFFFFFF50];
	v21 =	vmul.f32 v21, v11;
	v22 =	vmul.f32 v22, v12;
	v26 =	vadd.f32 v26, v28  }
0x191: {  	v62 =	vld [tilespmem:s0+$0xFFFFFFB0];
	v20 =	vmul.f32 v20, v13;
	v63 =	vmul.f32 v35, v3  }
0x192: {  	v40 =	vld [tilespmem:s0+$0xFFFFFF90];
	v24 =	vmul.f32 v24, v14;
	v36 =	vmul.f32 v36, v15;
	v23 =	vadd.f32 v23, v26  }
0x193: {  	v42 =	vld [tilespmem:s0+$0xFFFFFFD0];
	v25 =	vmul.f32 v25, v10;
	v33 =	vadd.f32 v33, v34;
	v29 =	vmul.f32 v57, v2  }
0x194: {  	v43 =	vld [tilespmem:s0+$0x30];
	v28 =	vmul.f32 v59, v0;
	v21 =	vadd.f32 v21, v23;
	v23 =	vmul.f32 v58, v1  }
0x195: {  	v41 =	vld [tilespmem:s0+$0xFFFFFFF0];
	v38 =	vmul.f32 v38, v17;
	v32 =	vadd.f32 v32, v33;
	v33 =	vmul.f32 v60, v5  }
0x196: {  	v44 =	vld [tilespmem:s0+$0x10];
	v28 =	vadd.f32 v29, v28;
	v26 =	vmul.f32 v61, v4;
	v23 =	vadd.f32 v63, v23  }
0x197: {  	v46 =	vld [tilespmem:s0+$0x70];
	v45 =	vmul.f32 v40, v6;
	v37 =	vmul.f32 v37, v16;
	v31 =	vadd.f32 v31, v32  }
0x198: {  	v47 =	vld [tilespmem:s0+$0x50];
	v32 =	vmul.f32 v62, v7;
	v26 =	vadd.f32 v26, v28;
	v23 =	vadd.f32 v33, v23  }
0x199: {  	v49 =	vld [tilespmem:s0+$0x90];
	v48 =	vmul.f32 v42, v8;
	v50 =	vmul.f32 v43, v11;
	v27 =	vadd.f32 v27, v31  }
0x19a: {  	v55 =	vld [tilespmem:s0+$0xF0];
	v31 =	vmul.f32 v41, v9;
	v26 =	vadd.f32 v45, v26;
	v23 =	vadd.f32 v32, v23  }
0x19b: {  	v51 =	vld [tilespmem:s0+$0xB0];
	v52 =	vmul.f32 v44, v10;
	v25 =	vadd.f32 v25, v27;
	v20 =	vadd.f32 v20, v21  }
0x19c: {  	v39 =	vld [tilespmem:s0+$0x120];
	v54 =	vmul.f32 v46, v13;
	v21 =	vadd.f32 v48, v26;
	v23 =	vadd.f32 v31, v23  }
0x19d: {  	v53 =	vld [tilespmem:s0+$0xD0];
	v30 =	vmul.f32 v56, v18;
	v56 =	vmul.f32 v47, v12;
	v22 =	vadd.f32 v22, v25  }
0x19e: {  	v57 =	vld [tilespmem:s0+$0x110];
	v60 =	vmul.f32 v49, v14;
	v21 =	vadd.f32 v52, v21;
	v23 =	vadd.f32 v50, v23  }
0x19f: {  	v59 =	vld [tilespmem:s0+$0x130];
	v62 =	vmul.f32 v55, v17;
	v20 =	vadd.f32 v36, v20;
	v22 =	vadd.f32 v24, v22  }
0x1a0: {  	v61 =	vmul.f32 v51, v15;
	v21 =	vadd.f32 v56, v21;
	v23 =	vadd.f32 v54, v23  }
0x1a1: {  	v58 =	vmul.f32 v39, v19;
	v20 =	vadd.f32 v38, v20;
	v22 =	vadd.f32 v37, v22  }
0x1a2: {  	v28 =	vmul.f32 v53, v16;
	v21 =	vadd.f32 v60, v21;
	v23 =	vadd.f32 v61, v23  }
0x1a3: {  	v63 =	vmul.f32 v57, v18;
	v20 =	vadd.f32 v58, v20;
	v22 =	vadd.f32 v30, v22  }
0x1a4: {  	v24 =	vmul.f32 v59, v19;
	v21 =	vadd.f32 v28, v21;
	v23 =	vadd.f32 v62, v23  }
0x1a5: {  	v20 =	vadd.f32 v20, v22  }
0x1a6: {  	v21 =	vadd.f32 v63, v21;
	v22 =	vadd.f32 v24, v23  }
0x1a7: {  	s2 =	simm.s32 $0x0  }
0x1a8: {  	s1 =	simm.s32 $0x80;
	[tilespmem:s2+$0x14A00] =	vst v20;
	v20 =	vadd.f32 v22, v21  }
.LBB2_4:
0x1a9: {  	p0 =	sne.s32 s1, $0x3F80  }
0x1aa: {  	s0 =	sadd.s32 $0x280, s0;
	[tilespmem:s2+$0x14A10] =	vst v20;
	s2 =	smov.u32 s1;
	s1 =	sadd.s32 $0x80, s1  }
0x1ab: {  	v20 =	vld [tilespmem:s0+$0x60]  }
0x1ac: {  	v21 =	vld [tilespmem:s0+$0x20]  }
0x1ad: {  	v22 =	vld [tilespmem:s0+$0x40]  }
0x1ae: {  	v23 =	vld [tilespmem:s0+$0xFFFFFFE0]  }
0x1af: {  	v24 =	vld [tilespmem:s0+$0x80]  }
0x1b0: {  	v25 =	vld [tilespmem:s0+$0x0]  }
0x1b1: {  	v26 =	vld [tilespmem:s0+$0xFFFFFFA0]  }
0x1b2: {  	v27 =	vld [tilespmem:s0+$0xFFFFFFC0]  }
0x1b3: {  	v28 =	vld [tilespmem:s0+$0xFFFFFF60]  }
0x1b4: {  	v29 =	vld [tilespmem:s0+$0xFFFFFF20]  }
0x1b5: {  	v30 =	vld [tilespmem:s0+$0xFFFFFEE0]  }
0x1b6: {  	v31 =	vld [tilespmem:s0+$0xFFFFFF80]  }
0x1b7: {  	v32 =	vld [tilespmem:s0+$0xFFFFFF40];
	v27 =	vmul.f32 v27, v8  }
0x1b8: {  	v26 =	vmul.f32 v26, v7;
	v33 =	vld [tilespmem:s0+$0xFFFFFF00]  }
0x1b9: {  	v34 =	vld [tilespmem:s0+$0xFFFFFEC0];
	v29 =	vmul.f32 v29, v3  }
0x1ba: {  	v23 =	vmul.f32 v23, v9;
	v30 =	vmul.f32 v30, v1;
	v35 =	vld [tilespmem:s0+$0xFFFFFF30]  }
0x1bb: {  	v22 =	vmul.f32 v22, v12;
	v36 =	vld [tilespmem:s0+$0xA0]  }
0x1bc: {  	v21 =	vmul.f32 v21, v11;
	v28 =	vmul.f32 v28, v5;
	v29 =	vadd.f32 v29, v30;
	v30 =	vld [tilespmem:s0+$0xC0]  }
0x1bd: {  	v32 =	vmul.f32 v32, v4;
	v33 =	vmul.f32 v33, v2;
	v37 =	vld [tilespmem:s0+$0xE0]  }
0x1be: {  	v20 =	vmul.f32 v20, v13;
	v34 =	vmul.f32 v34, v0;
	v28 =	vadd.f32 v28, v29;
	v29 =	vld [tilespmem:s0+$0x100]  }
0x1bf: {  	v24 =	vmul.f32 v24, v14;
	v38 =	vld [tilespmem:s0+$0x120]  }
0x1c0: {  	v31 =	vmul.f32 v31, v6;
	v33 =	vadd.f32 v33, v34;
	v34 =	vld [tilespmem:s0+$0xFFFFFF10];
	v36 =	vmul.f32 v36, v15  }
0x1c1: {  	v25 =	vmul.f32 v25, v10;
	v26 =	vadd.f32 v26, v28;
	v39 =	vld [tilespmem:s0+$0xFFFFFEF0]  }
0x1c2: {  	v28 =	vld [tilespmem:s0+$0xFFFFFED0];
	v32 =	vadd.f32 v32, v33;
	v33 =	vmul.f32 v37, v17  }
0x1c3: {  	v23 =	vadd.f32 v23, v26;
	v26 =	vmul.f32 v30, v16;
	v37 =	vld [tilespmem:s0+$0xFFFFFF70];
	v29 =	vmul.f32 v29, v18  }
0x1c4: {  	v30 =	vld [tilespmem:s0+$0xFFFFFF50];
	v31 =	vadd.f32 v31, v32;
	v32 =	vmul.f32 v38, v19  }
0x1c5: {  	v21 =	vadd.f32 v21, v23;
	v38 =	vld [tilespmem:s0+$0xFFFFFFB0]  }
0x1c6: {  	v35 =	vmul.f32 v35, v3;
	v23 =	vmul.f32 v39, v1;
	v39 =	vld [tilespmem:s0+$0xFFFFFF90];
	v27 =	vadd.f32 v27, v31  }
0x1c7: {  	v31 =	vmul.f32 v34, v2;
	v20 =	vadd.f32 v20, v21;
	v28 =	vmul.f32 v28, v0;
	v34 =	vld [tilespmem:s0+$0xFFFFFFF0]  }
0x1c8: {  	v21 =	vadd.f32 v35, v23;
	v23 =	vmul.f32 v37, v5;
	v35 =	vld [tilespmem:s0+$0xFFFFFFD0];
	v25 =	vadd.f32 v25, v27  }
0x1c9: {  	v20 =	vadd.f32 v36, v20;
	v27 =	vadd.f32 v31, v28;
	v28 =	vmul.f32 v30, v4;
	v30 =	vld [tilespmem:s0+$0x30]  }
0x1ca: {  	v21 =	vadd.f32 v23, v21;
	v23 =	vmul.f32 v38, v7;
	v31 =	vld [tilespmem:s0+$0x10];
	v22 =	vadd.f32 v22, v25  }
0x1cb: {  	v20 =	vadd.f32 v33, v20;
	v25 =	vadd.f32 v28, v27;
	v27 =	vmul.f32 v39, v6;
	v28 =	vld [tilespmem:s0+$0x70]  }
0x1cc: {  	v21 =	vadd.f32 v23, v21;
	v23 =	vmul.f32 v34, v9;
	v33 =	vld [tilespmem:s0+$0x50];
	v22 =	vadd.f32 v24, v22  }
0x1cd: {  	v24 =	vadd.f32 v27, v25;
	v25 =	vmul.f32 v35, v8;
	v27 =	vld [tilespmem:s0+$0x90]  }
0x1ce: {  	v21 =	vadd.f32 v23, v21;
	v23 =	vmul.f32 v30, v11;
	v30 =	vld [tilespmem:s0+$0xB0];
	v22 =	vadd.f32 v26, v22  }
0x1cf: {  	v20 =	vadd.f32 v32, v20;
	v24 =	vadd.f32 v25, v24;
	v25 =	vmul.f32 v31, v10;
	v26 =	vld [tilespmem:s0+$0xD0]  }
0x1d0: {  	v21 =	vadd.f32 v23, v21;
	v23 =	vmul.f32 v28, v13;
	v28 =	vld [tilespmem:s0+$0xF0];
	v22 =	vadd.f32 v29, v22  }
0x1d1: {  	v24 =	vadd.f32 v25, v24;
	v25 =	vmul.f32 v33, v12;
	v29 =	vld [tilespmem:s0+$0x110]  }
0x1d2: {  	v21 =	vadd.f32 v23, v21;
	v23 =	vld [tilespmem:s0+$0x130];
	v20 =	vadd.f32 v20, v22  }
0x1d3: {  	s2 =	sshra.s32 s2, $0x2;
	v22 =	vadd.f32 v25, v24;
	v24 =	vmul.f32 v27, v14;
	v25 =	vmul.f32 v30, v15  }
0x1d4: {  	v26 =	vmul.f32 v26, v16;
	[tilespmem:s2+$0x14A00] =	vst v20  }
0x1d5: {  	v20 =	vadd.f32 v24, v22;
	v21 =	vadd.f32 v25, v21;
	v22 =	vmul.f32 v28, v17  }
0x1d6: {  	v24 =	vmul.f32 v29, v18  }
.Ltmp1:
0x1d7: {  	v20 =	vadd.f32 v26, v20;
	v21 =	vadd.f32 v22, v21;
	v22 =	vmul.f32 v23, v19;
	(pc) =	sbr.rel @p0 .LBB2_4-.Ltmp1, $3  }
0x1d8: {  	_ = 	snop  }
0x1d9: {  	v20 =	vadd.f32 v24, v20;
	v21 =	vadd.f32 v22, v21;
	_ =	sdelay $0x1  }
0x1da: {  	v20 =	vadd.f32 v21, v20  }
0x1db: {  	_ = 	snop  }
0x1dc: {  	s0 =	rddreg [dreg:$0x6];
	[tilespmem:s2+$0x14A10] =	vst v20  }
0x1dd: {  	[hbm4b:s0+s3] =	stream.linear.scatter [tilespmem:s30], [sflag:$0x2], $0x1000, $0x38;
	[tilespmem:$0x15C80] =	vst v63  }
0x1de: {  	_ =	swait.ge [sflag:s12], $0x1000  }
0x1df: {  	s31 =	sadd.s32 $0x1, s31;
	s2 =	rddreg [dreg:$0x7]  }
0x1e0: {  	p0 =	sne.s32 s31, s2  }
.Ltmp2:
0x1e1: {  	_ = 	snop;
	(pc) =	sbr.rel @p0 .LBB2_1-.Ltmp2, $3  }
0x1e2: {  	_ =	sdelay $0x1  }
0x1e3: {  	[sflag:s12] =	ssyncset.done $0x0  }
0x1e4: {  	[sflag:s12] =	ssyncadd.s32 $0xFFFFF000  }
0x1e5: {  	_ =	sfence.sel $0x180000  }
0x1e6: {  	[bflag:$0x0] =	sbarrier.arrive $0xFFFF  }
0x1e7: {  	_ =	strace $0x90000047  }
0x1e8: {  	s0 =	stileid.u32;
	[bflag:$0x2] =	sbarrier.arrive $0xFFFF  }
0x1e9: {  	p0 =	sne.s32 s0, $0x0;
	s0 =	rddreg [dreg:$0x4]  }
0x1ea: {  	s0 =	sadd.s32 @!p0 $0x100000, s0  }
0x1eb: {  	[sflag:s0] =	ssyncadd.tile.s32 @!p0 $0x1;
	_ =	shalt  }
.Lfunc_end2:
_tile_overlayer_lowered:
.L_overlay_start_2:
0x1ec: {  	(tag) =	ssettag $0x2  }
0x1ed: {  	s0 =	rddreg [dreg:$0x0];
	s2 =	stileid.u32  }
0x1ee: {  	s1 =	rddreg [dreg:$0x1];
	p0 =	sne.s32 s2, $0x0  }
0x1ef: {  	s3 =	rddreg [dreg:$0x2];
	[bflag:$0x3] =	sbarrier.arrive $0xFFFF;
	s2 =	simm.s32 @!p0 $0x1C02  }
0x1f0: {  	[timem:s3], [sflag:s2] =	dma.local @!p0 [hbm:s0], s1  }
0x1f1: {  	s0 =	simm.s32 @!p0 $0x2  }
0x1f2: {  	_ =	swait.ge @!p0 [sflag:s0], s1  }
0x1f3: {  	s1 =	ssub.s32 @!p0 $0x0, s1;
	[sflag:s0] =	ssyncset.done @!p0 $0x0  }
0x1f4: {  	[sflag:s0] =	ssyncadd.s32 @!p0 s1  }
0x1f5: {  	[bflag:$0x3] =	sbarrier.arrive $0xFFFF  }
0x1f6: {  	_ =	shalt  }

</sc_bundles>
